<compile_context>
chip_gen: v7x
topology: tpu7x:2x2x1
jax: 0.10.2.dev20260603
libtpu: 0.0.44.dev20260713+nightly
codegen_flags: <defaults>
</compile_context>

<pallas_src>
import functools

import jax
import jax.numpy as jnp
from jax import lax
from jax.experimental import pallas as pl
from jax.experimental.pallas import tpu as pltpu
from jax.experimental.pallas import tpu_sc as plsc

_S = 512
_NF = _S // 3
_NCELL = _NF * _NF
_DUMP = _NCELL
_GPAD = 28928
_QR = _GPAD // 4
_CH = 128
_NB = 784
_CPT = _NB // 4
_NPAD = _NB * _CH


def _cells_body(pc_ref, cell_ref):
    pcm = pc_ref[0]
    rr = lax.broadcasted_iota(jnp.int32, (3, 3), 0)
    cc = lax.broadcasted_iota(jnp.int32, (3, 3), 1)
    eye = (rr == cc).astype(jnp.float32)
    emat = (3.0 * eye - 1.0) / jnp.sqrt(jnp.float32(6.0))
    ele = jnp.dot(emat, pcm, preferred_element_type=jnp.float32)
    n = pcm.shape[1]
    el3 = ele.reshape(3, 8, n // 8)
    e0 = el3[0]
    e1 = el3[1]
    e2 = el3[2]

    g0 = jnp.round(e0 / 3.0)
    g1 = jnp.round(e1 / 3.0)
    g2 = jnp.round(e2 / 3.0)
    x0 = e0 - g0 * 3.0
    x1 = e1 - g1 * 3.0
    x2 = e2 - g2 * 3.0

    i32 = jnp.int32
    r0 = (x1 > x0).astype(i32) + (x2 > x0).astype(i32)
    r1 = (x0 >= x1).astype(i32) + (x2 > x1).astype(i32)
    r2 = (x0 >= x2).astype(i32) + (x1 >= x2).astype(i32)

    rs = g0 + g1 + g2
    gt = rs > 0.0
    lt = rs < 0.0
    sign = jnp.where(gt, jnp.float32(-1.0), 0.0) + jnp.where(lt, jnp.float32(1.0), 0.0)

    def adjust(rk, g):
        rkf = rk.astype(jnp.float32)
        cond = ((rkf >= 3.0 - rs) & gt) | ((rkf < -rs) & lt)
        adj = sign * cond.astype(jnp.float32)
        g_new = g + adj
        rk_new = rk + (3.0 * adj).astype(i32) + rs.astype(i32)
        return rk_new, g_new

    r0, g0 = adjust(r0, g0)
    r1, g1 = adjust(r1, g1)
    r2, g2 = adjust(r2, g2)

    c0 = (g0 * 3.0).astype(i32)
    c1 = (g1 * 3.0).astype(i32)
    rc0 = jnp.clip(r0, 0, 2)
    rc1 = jnp.clip(r1, 0, 2)

    o0 = jnp.min(c0 - rc0)
    o1 = jnp.min(c1 - rc1)
    pk0 = jnp.mod(-o0, 3)
    pk1 = jnp.mod(-o1, 3)

    u0 = c0 - o0
    u1 = c1 - o1
    f = u0 * _S + u1
    valid = (f >= 0) & (f < _S * _S)
    fr = f >> 9
    fc = f & (_S - 1)
    d0 = fr - pk0
    d1 = fc - pk1
    valid &= (d0 >= 0) & (d1 >= 0)
    valid &= (jnp.mod(d0, 3) == 0) & (jnp.mod(d1, 3) == 0)
    j0 = d0 // 3
    j1 = d1 // 3
    valid &= (j0 < _NF) & (j1 < _NF)
    cell_ref[0] = jnp.where(valid, j0 * _NF + j1, _DUMP)


_PPT = 25000
_NCHUNK = _PPT // _CH
_TAIL = _PPT - _NCHUNK * _CH


def _scatter_body(cell_hbm, feat_hbm, zeros_hbm, out_hbm,
                  idx_v, st_v, rows_v, idx_t, st_t, rows_t, grid_sh):
    c = lax.axis_index("c")
    s = lax.axis_index("s")
    bl = s // 4
    q = s % 4
    b = c * 4 + bl
    base = q * _PPT

    pltpu.sync_copy(zeros_hbm.at[pl.ds(q * _QR, _QR)],
                    grid_sh.at[bl].at[pl.ds(q * _QR, _QR)])
    pltpu.sync_copy(zeros_hbm.at[pl.ds(0, _CH)], rows_v)
    pltpu.sync_copy(zeros_hbm.at[pl.ds(0, _TAIL)], rows_t)
    plsc.subcore_barrier()

    lanes = lax.iota(jnp.int32, 16)

    def interleave(st_ref, rows_ref, ngroups, limit):
        for ch in range(3):
            cidx = jnp.full((16,), ch, jnp.int32)
            for g in range(ngroups):
                vals = st_ref[ch, pl.ds(g * 16, 16)]
                ridx = g * 16 + lanes
                mask = None if limit is None else ridx < limit
                plsc.store_scatter(rows_ref, [ridx, cidx], vals, mask=mask)

    def body(j, carry):
        start = base + j * _CH
        pltpu.sync_copy(cell_hbm.at[b, pl.ds(start, _CH)], idx_v)
        pltpu.sync_copy(feat_hbm.at[b, :, pl.ds(start, _CH)], st_v)
        interleave(st_v, rows_v, _CH // 16, None)
        pltpu.sync_copy(rows_v, grid_sh.at[bl].at[idx_v], add=True)
        return carry

    lax.fori_loop(0, _NCHUNK, body, 0)

    tstart = base + _NCHUNK * _CH
    pltpu.sync_copy(cell_hbm.at[b, pl.ds(tstart, _TAIL)], idx_t)
    pltpu.sync_copy(feat_hbm.at[b, :, pl.ds(tstart, _TAIL)],
                    st_t.at[:, pl.ds(0, _TAIL)])
    interleave(st_t, rows_t, 3, _TAIL)
    pltpu.sync_copy(rows_t, grid_sh.at[bl].at[idx_t], add=True)

    plsc.subcore_barrier()
    pltpu.sync_copy(grid_sh.at[bl].at[pl.ds(q * _QR, _QR)],
                    out_hbm.at[b].at[pl.ds(q * _QR, _QR)])


@jax.jit
def kernel(pc1, features):
    B, _, N = pc1.shape

    cells = pl.pallas_call(
        _cells_body,
        grid=(B,),
        in_specs=[pl.BlockSpec((1, 3, N), lambda i: (i, 0, 0))],
        out_specs=pl.BlockSpec((1, 8, N // 8), lambda i: (i, 0, 0)),
        out_shape=jax.ShapeDtypeStruct((B, 8, N // 8), jnp.int32),
        compiler_params=pltpu.CompilerParams(vmem_limit_bytes=100 * 1024 * 1024),
    )(pc1).reshape(B, N)

    zeros = jnp.zeros((_GPAD, 8), jnp.float32)

    mesh = plsc.VectorSubcoreMesh(core_axis_name="c", subcore_axis_name="s")
    grid_out = pl.kernel(
        _scatter_body,
        out_type=jax.ShapeDtypeStruct((B, _GPAD, 8), jnp.float32),
        mesh=mesh,
        scratch_types=[
            pltpu.VMEM((_CH,), jnp.int32),
            pltpu.VMEM((3, _CH), jnp.float32),
            pltpu.VMEM((_CH, 8), jnp.float32),
            pltpu.VMEM((_TAIL,), jnp.int32),
            pltpu.VMEM((3, 48), jnp.float32),
            pltpu.VMEM((_TAIL, 8), jnp.float32),
            pltpu.VMEM_SHARED((4, _GPAD, 8), jnp.float32),
        ],
        compiler_params=pltpu.CompilerParams(use_tc_tiling_on_sc=False,
                                             needs_layout_passes=False),
    )(cells, features, zeros)

    out = grid_out[:, :_NCELL, :3].reshape(B, _NF, _NF, 3)
    return (out, out)

# --- scband reference (transcript-rebuilt; emitter-appended) ---
"""Pipeline reference for scband-lattice-gen-5196910428877 (READ-ONLY COPY).

The authoritative reference and input builder live on the scoring server;
editing this copy changes nothing except your own understanding.
"""

import jax, jax.numpy as jnp
import numpy as np


def _build_canonical():
    d1 = 3
    canonical = np.tile(np.arange(d1)[None, :], (d1, 1))
    for i in range(1, d1):
        canonical[-i:, i] = i - d1
    return jnp.asarray(canonical, dtype=jnp.int32)


def _get_keys_and_barycentric(pc, elevate_mat, canonical):
    d1 = 3
    B = pc.shape[0]
    N = pc.shape[-1]
    elevated = jnp.einsum('ij,bjn->bin', elevate_mat, pc)
    greedy = jnp.round(elevated / d1) * d1
    el_minus_gr = elevated - greedy
    srt_idx = jnp.argsort(-el_minus_gr, axis=1)
    rank = jnp.argsort(srt_idx, axis=1).astype(jnp.int32)
    remainder_sum = jnp.sum(greedy, axis=1, keepdims=True) / d1
    rank_f = rank.astype(jnp.float32)
    gt = remainder_sum > 0
    lt = remainder_sum < 0
    cond_mask = (((rank_f >= d1 - remainder_sum) & gt) | ((rank_f < -remainder_sum) & lt)).astype(jnp.float32)
    sign_mask = -1.0 * gt.astype(jnp.float32) + lt.astype(jnp.float32)
    greedy = greedy + d1 * sign_mask * cond_mask
    rank = rank + (d1 * sign_mask * cond_mask).astype(jnp.int32)
    rank = rank + remainder_sum.astype(jnp.int32)
    el_minus_gr = elevated - greedy
    greedy_i = greedy.astype(jnp.int32)
    b_idx = jnp.arange(B)[:, None, None]
    n_idx = jnp.arange(N)[None, None, :]
    bary = jnp.zeros((B, d1 + 1, N), dtype=jnp.float32)
    # self.d == self.d1 == 3 in the original module, so the two scatters hit the
    # same slots and cancel (replicated faithfully)
    bary = bary.at[b_idx, 3 - rank, n_idx].add(el_minus_gr)
    bary = bary.at[b_idx, d1 - rank, n_idx].add(-el_minus_gr)
    bary = bary / d1
    bary = bary.at[:, 0, :].add(1.0 + bary[:, d1, :])
    bary = bary[:, :-1, :]
    keys = greedy_i[:, :, :, None] + canonical[rank]
    return keys, bary, el_minus_gr


def setup_inputs(seed: int = 0):
    key = jax.random.key(seed)
    k1, k2 = jax.random.split(key)
    pc1 = jax.random.normal(k1, (8, 3, 100000), dtype=jnp.float32)
    features = jax.random.normal(k2, (8, 3, 100000), dtype=jnp.float32)
    return {"pc1": pc1, "features": features}


def reference(pc1, features):
    s = 512
    d1 = 3
    elevate_mat = jnp.array([[2.0, -1.0, -1.0], [-1.0, 2.0, -1.0], [-1.0, -1.0, 2.0]], dtype=jnp.float32) / jnp.sqrt(6.0)
    canonical = _build_canonical()
    keys, in_barycentric, _ = _get_keys_and_barycentric(pc1, elevate_mat, canonical)
    B = features.shape[0]
    N = features.shape[-1]
    coord = keys[:, :2].reshape(B, 2, -1)
    offset = coord.min(axis=2)
    coord = coord - offset[:, :, None]
    tmp = in_barycentric[:, None, :, :] * features[:, :, None, :]
    tmp = jnp.transpose(tmp, (0, 1, 3, 2)).reshape(B, 3, -1)
    tmp = jnp.transpose(tmp, (0, 2, 1))

    def _splat(coord_b, tmp_b):
        flat = coord_b[0] * s + coord_b[1]
        return jnp.zeros((s * s, 3), jnp.float32).at[flat].add(tmp_b).reshape(s, s, 3)

    splatted_2d = jax.vmap(_splat)(coord, tmp)
    pts_pick = (-offset) % d1
    nf = s // d1

    def _pick(sp_b, p):
        rows = p[0] + d1 * jnp.arange(nf)
        cols = p[1] + d1 * jnp.arange(nf)
        return sp_b[rows][:, cols]

    filter_2d = jax.vmap(_pick)(splatted_2d, pts_pick)
    return (filter_2d, filter_2d)

if __name__ == "__main__":
    import jax
    _d = setup_inputs()
    print(jax.jit(kernel)(*tuple(_d.values())))

</pallas_src>

<mosaic_0001>
#map = affine_map<(d0, d1) -> (0, 0)>
#map1 = affine_map<(d0, d1) -> (0, 0, 0)>
module attributes {stable_mosaic.version = 14 : i64} {
  func.func @_scatter_body(%arg0: i32, %arg1: i32, %arg2: memref<8x100000xi32, #tpu.memory_space<hbm>>, %arg3: memref<8x3x100000xf32, #tpu.memory_space<hbm>>, %arg4: memref<28928x8xf32, #tpu.memory_space<hbm>>, %arg5: memref<8x28928x8xf32, #tpu.memory_space<hbm>>, %arg6: memref<128xi32, #tpu.memory_space<vmem>>, %arg7: memref<3x128xf32, #tpu.memory_space<vmem>>, %arg8: memref<128x8xf32, #tpu.memory_space<vmem>>, %arg9: memref<40xi32, #tpu.memory_space<vmem>>, %arg10: memref<3x48xf32, #tpu.memory_space<vmem>>, %arg11: memref<40x8xf32, #tpu.memory_space<vmem>>, %arg12: memref<4x28928x8xf32, #tpu.memory_space<vmem_shared>>) attributes {dimension_semantics = [#tpu.dimension_semantics<core_parallel>, #tpu.dimension_semantics<subcore_parallel>], iteration_bounds = array<i64: 2, 16>, scalar_prefetch = 0 : i64, scratch_operands = 7 : i64, tpu.core_type = #tpu.core_type<sc_vector_subcore>, window_params = [{transform_indices = #map}, {transform_indices = #map1}, {transform_indices = #map}, {transform_indices = #map1}]} {
    %jit3A = arith.constant 4 : i32
    %div3A = arith.divsi %arg1, %jit3A : i32
    %sign3A = arith.constant 0 : i32
    %sign3A_0 = arith.cmpi sgt, %arg1, %sign3A : i32
    %sign3A_1 = arith.extui %sign3A_0 : i1 to i32
    %sign3A_2 = arith.constant 0 : i32
    %sign3A_3 = arith.cmpi slt, %arg1, %sign3A_2 : i32
    %sign3A_4 = arith.extui %sign3A_3 : i1 to i32
    %sign3A_5 = arith.subi %sign3A_1, %sign3A_4 : i32
    %sign3A_6 = arith.constant 0 : i32
    %sign3A_7 = arith.cmpi sgt, %jit3A, %sign3A_6 : i32
    %sign3A_8 = arith.extui %sign3A_7 : i1 to i32
    %sign3A_9 = arith.constant 0 : i32
    %sign3A_10 = arith.cmpi slt, %jit3A, %sign3A_9 : i32
    %sign3A_11 = arith.extui %sign3A_10 : i1 to i32
    %sign3A_12 = arith.subi %sign3A_8, %sign3A_11 : i32
    %ne3A = arith.cmpi ne, %sign3A_5, %sign3A_12 : i32
    %rem3A = arith.remsi %arg1, %jit3A : i32
    %ne3A_13 = arith.constant 0 : i32
    %ne3A_14 = arith.cmpi ne, %rem3A, %ne3A_13 : i32
    %and3A = arith.andi %ne3A, %ne3A_14 : i1
    %sub3A = arith.constant 1 : i32
    %sub3A_15 = arith.subi %div3A, %sub3A : i32
    %select_n3A = arith.select %and3A, %sub3A_15, %div3A : i32
    %jit3A_16 = arith.constant 4 : i32
    %eq3A = arith.constant 0 : i32
    %eq3A_17 = arith.cmpi eq, %jit3A_16, %eq3A : i32
    %jit3A_18 = arith.constant 1 : i32
    %select_n3A_19 = arith.select %eq3A_17, %jit3A_18, %jit3A_16 : i32
    %rem3A_20 = arith.remsi %arg1, %select_n3A_19 : i32
    %ne3A_21 = arith.constant 0 : i32
    %ne3A_22 = arith.cmpi ne, %rem3A_20, %ne3A_21 : i32
    %lt3A = arith.constant 0 : i32
    %lt3A_23 = arith.cmpi slt, %rem3A_20, %lt3A : i32
    %lt3A_24 = arith.constant 0 : i32
    %lt3A_25 = arith.cmpi slt, %select_n3A_19, %lt3A_24 : i32
    %ne3A_26 = arith.xori %lt3A_23, %lt3A_25 : i1
    %and3A_27 = arith.andi %ne3A_26, %ne3A_22 : i1
    %add3A = arith.addi %rem3A_20, %select_n3A_19 : i32
    %select_n3A_28 = arith.select %and3A_27, %add3A, %rem3A_20 : i32
    %mul3A = arith.constant 4 : i32
    %mul3A_29 = arith.muli %arg0, %mul3A : i32
    %add3A_30 = arith.addi %mul3A_29, %select_n3A : i32
    %mul3A_31 = arith.constant 25000 : i32
    %mul3A_32 = arith.muli %select_n3A_28, %mul3A_31 : i32
    %mul3A_33 = arith.constant 7232 : i32
    %mul3A_34 = arith.muli %select_n3A_28, %mul3A_33 : i32
    %mul3A_35 = arith.constant 7232 : i32
    %mul3A_36 = arith.muli %select_n3A_28, %mul3A_35 : i32
    "tpu.region"() ({
      %run_scoped3A = tpu.sem_alloc : memref<!tpu.dma_semaphore, #tpu.memory_space<semaphore_mem>>
      %dma_start3A = arith.constant 0 : i32
      %dma_start3A_143 = arith.constant 0 : i32
      %dma_start3A_144 = tpu.memref_slice %arg12[%select_n3A, %dma_start3A, %dma_start3A_143] : memref<4x28928x8xf32, #tpu.memory_space<vmem_shared>> -> memref<1x28928x8xf32, #tpu.memory_space<vmem_shared>>
      %dma_start3A_145 = tpu.memref_squeeze %dma_start3A_144 : memref<1x28928x8xf32, #tpu.memory_space<vmem_shared>> -> memref<28928x8xf32, #tpu.memory_space<vmem_shared>>
      %dma_start3A_146 = arith.constant 0 : i32
      %dma_start3A_147 = tpu.memref_slice %dma_start3A_145[%mul3A_36, %dma_start3A_146] : memref<28928x8xf32, #tpu.memory_space<vmem_shared>> -> memref<7232x8xf32, #tpu.memory_space<vmem_shared>>
      %dma_start3A_148 = arith.constant 0 : i32
      %dma_start3A_149 = tpu.memref_slice %arg4[%mul3A_34, %dma_start3A_148] : memref<28928x8xf32, #tpu.memory_space<hbm>> -> memref<7232x8xf32, #tpu.memory_space<hbm>>
      tpu.enqueue_dma source(%dma_start3A_149 : memref<7232x8xf32, #tpu.memory_space<hbm>>) target(%dma_start3A_147 : memref<7232x8xf32, #tpu.memory_space<vmem_shared>>) target_semaphore(%run_scoped3A : memref<!tpu.dma_semaphore, #tpu.memory_space<semaphore_mem>>)
      %dma_wait3A = arith.constant 0 : i32
      %dma_wait3A_150 = arith.constant 0 : i32
      %dma_wait3A_151 = tpu.memref_slice %arg12[%select_n3A, %dma_wait3A, %dma_wait3A_150] : memref<4x28928x8xf32, #tpu.memory_space<vmem_shared>> -> memref<1x28928x8xf32, #tpu.memory_space<vmem_shared>>
      %dma_wait3A_152 = tpu.memref_squeeze %dma_wait3A_151 : memref<1x28928x8xf32, #tpu.memory_space<vmem_shared>> -> memref<28928x8xf32, #tpu.memory_space<vmem_shared>>
      %dma_wait3A_153 = arith.constant 0 : i32
      %dma_wait3A_154 = tpu.memref_slice %dma_wait3A_152[%mul3A_36, %dma_wait3A_153] : memref<28928x8xf32, #tpu.memory_space<vmem_shared>> -> memref<7232x8xf32, #tpu.memory_space<vmem_shared>>
      %dma_wait3A_155 = arith.constant 0 : i32
      %dma_wait3A_156 = tpu.memref_slice %arg4[%mul3A_34, %dma_wait3A_155] : memref<28928x8xf32, #tpu.memory_space<hbm>> -> memref<7232x8xf32, #tpu.memory_space<hbm>>
      tpu.wait_dma2 semaphore(%run_scoped3A : memref<!tpu.dma_semaphore, #tpu.memory_space<semaphore_mem>>) src(%dma_wait3A_156 : memref<7232x8xf32, #tpu.memory_space<hbm>>) dst(%dma_wait3A_154 : memref<7232x8xf32, #tpu.memory_space<vmem_shared>>)
      tpu.yield
    }) : () -> ()
    "tpu.region"() ({
      %run_scoped3A = tpu.sem_alloc : memref<!tpu.dma_semaphore, #tpu.memory_space<semaphore_mem>>
      %dma_start3A = arith.constant 0 : i32
      %dma_start3A_143 = arith.constant 0 : i32
      %dma_start3A_144 = tpu.memref_slice %arg4[%dma_start3A, %dma_start3A_143] : memref<28928x8xf32, #tpu.memory_space<hbm>> -> memref<128x8xf32, #tpu.memory_space<hbm>>
      %dma_start3A_145 = arith.constant 0 : i32
      %dma_start3A_146 = arith.constant 0 : i32
      %dma_start3A_147 = tpu.memref_slice %arg4[%dma_start3A_145, %dma_start3A_146] : memref<28928x8xf32, #tpu.memory_space<hbm>> -> memref<128x8xf32, #tpu.memory_space<hbm>>
      tpu.enqueue_dma source(%dma_start3A_147 : memref<128x8xf32, #tpu.memory_space<hbm>>) target(%arg8 : memref<128x8xf32, #tpu.memory_space<vmem>>) target_semaphore(%run_scoped3A : memref<!tpu.dma_semaphore, #tpu.memory_space<semaphore_mem>>)
      %dma_wait3A = arith.constant 0 : i32
      %dma_wait3A_148 = arith.constant 0 : i32
      %dma_wait3A_149 = tpu.memref_slice %arg4[%dma_wait3A, %dma_wait3A_148] : memref<28928x8xf32, #tpu.memory_space<hbm>> -> memref<128x8xf32, #tpu.memory_space<hbm>>
      %dma_wait3A_150 = arith.constant 0 : i32
      %dma_wait3A_151 = arith.constant 0 : i32
      %dma_wait3A_152 = tpu.memref_slice %arg4[%dma_wait3A_150, %dma_wait3A_151] : memref<28928x8xf32, #tpu.memory_space<hbm>> -> memref<128x8xf32, #tpu.memory_space<hbm>>
      tpu.wait_dma2 semaphore(%run_scoped3A : memref<!tpu.dma_semaphore, #tpu.memory_space<semaphore_mem>>) src(%dma_wait3A_152 : memref<128x8xf32, #tpu.memory_space<hbm>>) dst(%arg8 : memref<128x8xf32, #tpu.memory_space<vmem>>)
      tpu.yield
    }) : () -> ()
    "tpu.region"() ({
      %run_scoped3A = tpu.sem_alloc : memref<!tpu.dma_semaphore, #tpu.memory_space<semaphore_mem>>
      %dma_start3A = arith.constant 0 : i32
      %dma_start3A_143 = arith.constant 0 : i32
      %dma_start3A_144 = tpu.memref_slice %arg4[%dma_start3A, %dma_start3A_143] : memref<28928x8xf32, #tpu.memory_space<hbm>> -> memref<40x8xf32, #tpu.memory_space<hbm>>
      %dma_start3A_145 = arith.constant 0 : i32
      %dma_start3A_146 = arith.constant 0 : i32
      %dma_start3A_147 = tpu.memref_slice %arg4[%dma_start3A_145, %dma_start3A_146] : memref<28928x8xf32, #tpu.memory_space<hbm>> -> memref<40x8xf32, #tpu.memory_space<hbm>>
      tpu.enqueue_dma source(%dma_start3A_147 : memref<40x8xf32, #tpu.memory_space<hbm>>) target(%arg11 : memref<40x8xf32, #tpu.memory_space<vmem>>) target_semaphore(%run_scoped3A : memref<!tpu.dma_semaphore, #tpu.memory_space<semaphore_mem>>)
      %dma_wait3A = arith.constant 0 : i32
      %dma_wait3A_148 = arith.constant 0 : i32
      %dma_wait3A_149 = tpu.memref_slice %arg4[%dma_wait3A, %dma_wait3A_148] : memref<28928x8xf32, #tpu.memory_space<hbm>> -> memref<40x8xf32, #tpu.memory_space<hbm>>
      %dma_wait3A_150 = arith.constant 0 : i32
      %dma_wait3A_151 = arith.constant 0 : i32
      %dma_wait3A_152 = tpu.memref_slice %arg4[%dma_wait3A_150, %dma_wait3A_151] : memref<28928x8xf32, #tpu.memory_space<hbm>> -> memref<40x8xf32, #tpu.memory_space<hbm>>
      tpu.wait_dma2 semaphore(%run_scoped3A : memref<!tpu.dma_semaphore, #tpu.memory_space<semaphore_mem>>) src(%dma_wait3A_152 : memref<40x8xf32, #tpu.memory_space<hbm>>) dst(%arg11 : memref<40x8xf32, #tpu.memory_space<vmem>>)
      tpu.yield
    }) : () -> ()
    %barrier3A = arith.constant 0 : index
    tpu.barrier barrier_id(%barrier3A)
    %iota3A = tpu.iota {dimensions = array<i32: 0>} : vector<16xi32>
    %scan3A = arith.constant 0 : i32
    %scan3A_37 = arith.constant 0 : i32
    %scan3A_38 = arith.constant 195 : i32
    %scan3A_39 = arith.addi %scan3A_37, %scan3A_38 : i32
    %scan3A_40 = arith.constant 1 : i32
    scf.for %scan3A_143 = %scan3A_37 to %scan3A_39 step %scan3A_40  : i32 {
      %mul3A_144 = arith.constant 128 : i32
      %mul3A_145 = arith.muli %scan3A_143, %mul3A_144 : i32
      %add3A_146 = arith.addi %mul3A_32, %mul3A_145 : i32
      "tpu.region"() ({
        %run_scoped3A = tpu.sem_alloc : memref<!tpu.dma_semaphore, #tpu.memory_space<semaphore_mem>>
        %dma_start3A = tpu.memref_slice %arg2[%add3A_30, %add3A_146] : memref<8x100000xi32, #tpu.memory_space<hbm>> -> memref<1x128xi32, #tpu.memory_space<hbm>>
        %dma_start3A_321 = tpu.memref_squeeze %dma_start3A : memref<1x128xi32, #tpu.memory_space<hbm>> -> memref<128xi32, #tpu.memory_space<hbm>>
        %dma_start3A_322 = tpu.memref_slice %arg2[%add3A_30, %add3A_146] : memref<8x100000xi32, #tpu.memory_space<hbm>> -> memref<1x128xi32, #tpu.memory_space<hbm>>
        %dma_start3A_323 = tpu.memref_squeeze %dma_start3A_322 : memref<1x128xi32, #tpu.memory_space<hbm>> -> memref<128xi32, #tpu.memory_space<hbm>>
        tpu.enqueue_dma source(%dma_start3A_323 : memref<128xi32, #tpu.memory_space<hbm>>) target(%arg6 : memref<128xi32, #tpu.memory_space<vmem>>) target_semaphore(%run_scoped3A : memref<!tpu.dma_semaphore, #tpu.memory_space<semaphore_mem>>)
        %dma_wait3A = tpu.memref_slice %arg2[%add3A_30, %add3A_146] : memref<8x100000xi32, #tpu.memory_space<hbm>> -> memref<1x128xi32, #tpu.memory_space<hbm>>
        %dma_wait3A_324 = tpu.memref_squeeze %dma_wait3A : memref<1x128xi32, #tpu.memory_space<hbm>> -> memref<128xi32, #tpu.memory_space<hbm>>
        %dma_wait3A_325 = tpu.memref_slice %arg2[%add3A_30, %add3A_146] : memref<8x100000xi32, #tpu.memory_space<hbm>> -> memref<1x128xi32, #tpu.memory_space<hbm>>
        %dma_wait3A_326 = tpu.memref_squeeze %dma_wait3A_325 : memref<1x128xi32, #tpu.memory_space<hbm>> -> memref<128xi32, #tpu.memory_space<hbm>>
        tpu.wait_dma2 semaphore(%run_scoped3A : memref<!tpu.dma_semaphore, #tpu.memory_space<semaphore_mem>>) src(%dma_wait3A_326 : memref<128xi32, #tpu.memory_space<hbm>>) dst(%arg6 : memref<128xi32, #tpu.memory_space<vmem>>)
        tpu.yield
      }) : () -> ()
      "tpu.region"() ({
        %run_scoped3A = tpu.sem_alloc : memref<!tpu.dma_semaphore, #tpu.memory_space<semaphore_mem>>
        %dma_start3A = arith.constant 0 : i32
        %dma_start3A_321 = tpu.memref_slice %arg3[%add3A_30, %dma_start3A, %add3A_146] : memref<8x3x100000xf32, #tpu.memory_space<hbm>> -> memref<1x3x128xf32, #tpu.memory_space<hbm>>
        %dma_start3A_322 = tpu.memref_squeeze %dma_start3A_321 : memref<1x3x128xf32, #tpu.memory_space<hbm>> -> memref<3x128xf32, #tpu.memory_space<hbm>>
        %dma_start3A_323 = arith.constant 0 : i32
        %dma_start3A_324 = tpu.memref_slice %arg3[%add3A_30, %dma_start3A_323, %add3A_146] : memref<8x3x100000xf32, #tpu.memory_space<hbm>> -> memref<1x3x128xf32, #tpu.memory_space<hbm>>
        %dma_start3A_325 = tpu.memref_squeeze %dma_start3A_324 : memref<1x3x128xf32, #tpu.memory_space<hbm>> -> memref<3x128xf32, #tpu.memory_space<hbm>>
        tpu.enqueue_dma source(%dma_start3A_325 : memref<3x128xf32, #tpu.memory_space<hbm>>) target(%arg7 : memref<3x128xf32, #tpu.memory_space<vmem>>) target_semaphore(%run_scoped3A : memref<!tpu.dma_semaphore, #tpu.memory_space<semaphore_mem>>)
        %dma_wait3A = arith.constant 0 : i32
        %dma_wait3A_326 = tpu.memref_slice %arg3[%add3A_30, %dma_wait3A, %add3A_146] : memref<8x3x100000xf32, #tpu.memory_space<hbm>> -> memref<1x3x128xf32, #tpu.memory_space<hbm>>
        %dma_wait3A_327 = tpu.memref_squeeze %dma_wait3A_326 : memref<1x3x128xf32, #tpu.memory_space<hbm>> -> memref<3x128xf32, #tpu.memory_space<hbm>>
        %dma_wait3A_328 = arith.constant 0 : i32
        %dma_wait3A_329 = tpu.memref_slice %arg3[%add3A_30, %dma_wait3A_328, %add3A_146] : memref<8x3x100000xf32, #tpu.memory_space<hbm>> -> memref<1x3x128xf32, #tpu.memory_space<hbm>>
        %dma_wait3A_330 = tpu.memref_squeeze %dma_wait3A_329 : memref<1x3x128xf32, #tpu.memory_space<hbm>> -> memref<3x128xf32, #tpu.memory_space<hbm>>
        tpu.wait_dma2 semaphore(%run_scoped3A : memref<!tpu.dma_semaphore, #tpu.memory_space<semaphore_mem>>) src(%dma_wait3A_330 : memref<3x128xf32, #tpu.memory_space<hbm>>) dst(%arg7 : memref<3x128xf32, #tpu.memory_space<vmem>>)
        tpu.yield
      }) : () -> ()
      %broadcast_in_dim3A_147 = arith.constant 0 : i32
      %broadcast_in_dim3A_148 = vector.broadcast %broadcast_in_dim3A_147 : i32 to vector<16xi32>
      %get3A_149 = arith.constant 0 : i32
      %get3A_150 = arith.index_cast %get3A_149 : i32 to index
      %get3A_151 = arith.constant 0 : index
      %get3A_152 = tpu.vector_load %arg7[%get3A_150, %get3A_151] {strides = array<i32>} : memref<3x128xf32, #tpu.memory_space<vmem>>, vector<16xf32>,
      %add3A_153 = arith.constant 0 : i32
      %add3A_154 = vector.broadcast %add3A_153 : i32 to vector<16xi32>
      %add3A_155 = arith.addi %add3A_154, %iota3A : vector<16xi32>
      tpu.vector_store_idx %arg8[%add3A_155, %broadcast_in_dim3A_148], %get3A_152 : memref<128x8xf32, #tpu.memory_space<vmem>>[vector<16xi32>, vector<16xi32>], vector<16xf32>,
      %get3A_156 = arith.constant 0 : i32
      %get3A_157 = arith.index_cast %get3A_156 : i32 to index
      %get3A_158 = arith.constant 16 : index
      %get3A_159 = tpu.vector_load %arg7[%get3A_157, %get3A_158] {strides = array<i32>} : memref<3x128xf32, #tpu.memory_space<vmem>>, vector<16xf32>,
      %add3A_160 = arith.constant 16 : i32
      %add3A_161 = vector.broadcast %add3A_160 : i32 to vector<16xi32>
      %add3A_162 = arith.addi %add3A_161, %iota3A : vector<16xi32>
      tpu.vector_store_idx %arg8[%add3A_162, %broadcast_in_dim3A_148], %get3A_159 : memref<128x8xf32, #tpu.memory_space<vmem>>[vector<16xi32>, vector<16xi32>], vector<16xf32>,
      %get3A_163 = arith.constant 0 : i32
      %get3A_164 = arith.index_cast %get3A_163 : i32 to index
      %get3A_165 = arith.constant 32 : index
      %get3A_166 = tpu.vector_load %arg7[%get3A_164, %get3A_165] {strides = array<i32>} : memref<3x128xf32, #tpu.memory_space<vmem>>, vector<16xf32>,
      %add3A_167 = arith.constant 32 : i32
      %add3A_168 = vector.broadcast %add3A_167 : i32 to vector<16xi32>
      %add3A_169 = arith.addi %add3A_168, %iota3A : vector<16xi32>
      tpu.vector_store_idx %arg8[%add3A_169, %broadcast_in_dim3A_148], %get3A_166 : memref<128x8xf32, #tpu.memory_space<vmem>>[vector<16xi32>, vector<16xi32>], vector<16xf32>,
      %get3A_170 = arith.constant 0 : i32
      %get3A_171 = arith.index_cast %get3A_170 : i32 to index
      %get3A_172 = arith.constant 48 : index
      %get3A_173 = tpu.vector_load %arg7[%get3A_171, %get3A_172] {strides = array<i32>} : memref<3x128xf32, #tpu.memory_space<vmem>>, vector<16xf32>,
      %add3A_174 = arith.constant 48 : i32
      %add3A_175 = vector.broadcast %add3A_174 : i32 to vector<16xi32>
      %add3A_176 = arith.addi %add3A_175, %iota3A : vector<16xi32>
      tpu.vector_store_idx %arg8[%add3A_176, %broadcast_in_dim3A_148], %get3A_173 : memref<128x8xf32, #tpu.memory_space<vmem>>[vector<16xi32>, vector<16xi32>], vector<16xf32>,
      %get3A_177 = arith.constant 0 : i32
      %get3A_178 = arith.index_cast %get3A_177 : i32 to index
      %get3A_179 = arith.constant 64 : index
      %get3A_180 = tpu.vector_load %arg7[%get3A_178, %get3A_179] {strides = array<i32>} : memref<3x128xf32, #tpu.memory_space<vmem>>, vector<16xf32>,
      %add3A_181 = arith.constant 64 : i32
      %add3A_182 = vector.broadcast %add3A_181 : i32 to vector<16xi32>
      %add3A_183 = arith.addi %add3A_182, %iota3A : vector<16xi32>
      tpu.vector_store_idx %arg8[%add3A_183, %broadcast_in_dim3A_148], %get3A_180 : memref<128x8xf32, #tpu.memory_space<vmem>>[vector<16xi32>, vector<16xi32>], vector<16xf32>,
      %get3A_184 = arith.constant 0 : i32
      %get3A_185 = arith.index_cast %get3A_184 : i32 to index
      %get3A_186 = arith.constant 80 : index
      %get3A_187 = tpu.vector_load %arg7[%get3A_185, %get3A_186] {strides = array<i32>} : memref<3x128xf32, #tpu.memory_space<vmem>>, vector<16xf32>,
      %add3A_188 = arith.constant 80 : i32
      %add3A_189 = vector.broadcast %add3A_188 : i32 to vector<16xi32>
      %add3A_190 = arith.addi %add3A_189, %iota3A : vector<16xi32>
      tpu.vector_store_idx %arg8[%add3A_190, %broadcast_in_dim3A_148], %get3A_187 : memref<128x8xf32, #tpu.memory_space<vmem>>[vector<16xi32>, vector<16xi32>], vector<16xf32>,
      %get3A_191 = arith.constant 0 : i32
      %get3A_192 = arith.index_cast %get3A_191 : i32 to index
      %get3A_193 = arith.constant 96 : index
      %get3A_194 = tpu.vector_load %arg7[%get3A_192, %get3A_193] {strides = array<i32>} : memref<3x128xf32, #tpu.memory_space<vmem>>, vector<16xf32>,
      %add3A_195 = arith.constant 96 : i32
      %add3A_196 = vector.broadcast %add3A_195 : i32 to vector<16xi32>
      %add3A_197 = arith.addi %add3A_196, %iota3A : vector<16xi32>
      tpu.vector_store_idx %arg8[%add3A_197, %broadcast_in_dim3A_148], %get3A_194 : memref<128x8xf32, #tpu.memory_space<vmem>>[vector<16xi32>, vector<16xi32>], vector<16xf32>,
      %get3A_198 = arith.constant 0 : i32
      %get3A_199 = arith.index_cast %get3A_198 : i32 to index
      %get3A_200 = arith.constant 112 : index
      %get3A_201 = tpu.vector_load %arg7[%get3A_199, %get3A_200] {strides = array<i32>} : memref<3x128xf32, #tpu.memory_space<vmem>>, vector<16xf32>,
      %add3A_202 = arith.constant 112 : i32
      %add3A_203 = vector.broadcast %add3A_202 : i32 to vector<16xi32>
      %add3A_204 = arith.addi %add3A_203, %iota3A : vector<16xi32>
      tpu.vector_store_idx %arg8[%add3A_204, %broadcast_in_dim3A_148], %get3A_201 : memref<128x8xf32, #tpu.memory_space<vmem>>[vector<16xi32>, vector<16xi32>], vector<16xf32>,
      %broadcast_in_dim3A_205 = arith.constant 1 : i32
      %broadcast_in_dim3A_206 = vector.broadcast %broadcast_in_dim3A_205 : i32 to vector<16xi32>
      %get3A_207 = arith.constant 1 : i32
      %get3A_208 = arith.index_cast %get3A_207 : i32 to index
      %get3A_209 = arith.constant 0 : index
      %get3A_210 = tpu.vector_load %arg7[%get3A_208, %get3A_209] {strides = array<i32>} : memref<3x128xf32, #tpu.memory_space<vmem>>, vector<16xf32>,
      %add3A_211 = arith.constant 0 : i32
      %add3A_212 = vector.broadcast %add3A_211 : i32 to vector<16xi32>
      %add3A_213 = arith.addi %add3A_212, %iota3A : vector<16xi32>
      tpu.vector_store_idx %arg8[%add3A_213, %broadcast_in_dim3A_206], %get3A_210 : memref<128x8xf32, #tpu.memory_space<vmem>>[vector<16xi32>, vector<16xi32>], vector<16xf32>,
      %get3A_214 = arith.constant 1 : i32
      %get3A_215 = arith.index_cast %get3A_214 : i32 to index
      %get3A_216 = arith.constant 16 : index
      %get3A_217 = tpu.vector_load %arg7[%get3A_215, %get3A_216] {strides = array<i32>} : memref<3x128xf32, #tpu.memory_space<vmem>>, vector<16xf32>,
      %add3A_218 = arith.constant 16 : i32
      %add3A_219 = vector.broadcast %add3A_218 : i32 to vector<16xi32>
      %add3A_220 = arith.addi %add3A_219, %iota3A : vector<16xi32>
      tpu.vector_store_idx %arg8[%add3A_220, %broadcast_in_dim3A_206], %get3A_217 : memref<128x8xf32, #tpu.memory_space<vmem>>[vector<16xi32>, vector<16xi32>], vector<16xf32>,
      %get3A_221 = arith.constant 1 : i32
      %get3A_222 = arith.index_cast %get3A_221 : i32 to index
      %get3A_223 = arith.constant 32 : index
      %get3A_224 = tpu.vector_load %arg7[%get3A_222, %get3A_223] {strides = array<i32>} : memref<3x128xf32, #tpu.memory_space<vmem>>, vector<16xf32>,
      %add3A_225 = arith.constant 32 : i32
      %add3A_226 = vector.broadcast %add3A_225 : i32 to vector<16xi32>
      %add3A_227 = arith.addi %add3A_226, %iota3A : vector<16xi32>
      tpu.vector_store_idx %arg8[%add3A_227, %broadcast_in_dim3A_206], %get3A_224 : memref<128x8xf32, #tpu.memory_space<vmem>>[vector<16xi32>, vector<16xi32>], vector<16xf32>,
      %get3A_228 = arith.constant 1 : i32
      %get3A_229 = arith.index_cast %get3A_228 : i32 to index
      %get3A_230 = arith.constant 48 : index
      %get3A_231 = tpu.vector_load %arg7[%get3A_229, %get3A_230] {strides = array<i32>} : memref<3x128xf32, #tpu.memory_space<vmem>>, vector<16xf32>,
      %add3A_232 = arith.constant 48 : i32
      %add3A_233 = vector.broadcast %add3A_232 : i32 to vector<16xi32>
      %add3A_234 = arith.addi %add3A_233, %iota3A : vector<16xi32>
      tpu.vector_store_idx %arg8[%add3A_234, %broadcast_in_dim3A_206], %get3A_231 : memref<128x8xf32, #tpu.memory_space<vmem>>[vector<16xi32>, vector<16xi32>], vector<16xf32>,
      %get3A_235 = arith.constant 1 : i32
      %get3A_236 = arith.index_cast %get3A_235 : i32 to index
      %get3A_237 = arith.constant 64 : index
      %get3A_238 = tpu.vector_load %arg7[%get3A_236, %get3A_237] {strides = array<i32>} : memref<3x128xf32, #tpu.memory_space<vmem>>, vector<16xf32>,
      %add3A_239 = arith.constant 64 : i32
      %add3A_240 = vector.broadcast %add3A_239 : i32 to vector<16xi32>
      %add3A_241 = arith.addi %add3A_240, %iota3A : vector<16xi32>
      tpu.vector_store_idx %arg8[%add3A_241, %broadcast_in_dim3A_206], %get3A_238 : memref<128x8xf32, #tpu.memory_space<vmem>>[vector<16xi32>, vector<16xi32>], vector<16xf32>,
      %get3A_242 = arith.constant 1 : i32
      %get3A_243 = arith.index_cast %get3A_242 : i32 to index
      %get3A_244 = arith.constant 80 : index
      %get3A_245 = tpu.vector_load %arg7[%get3A_243, %get3A_244] {strides = array<i32>} : memref<3x128xf32, #tpu.memory_space<vmem>>, vector<16xf32>,
      %add3A_246 = arith.constant 80 : i32
      %add3A_247 = vector.broadcast %add3A_246 : i32 to vector<16xi32>
      %add3A_248 = arith.addi %add3A_247, %iota3A : vector<16xi32>
      tpu.vector_store_idx %arg8[%add3A_248, %broadcast_in_dim3A_206], %get3A_245 : memref<128x8xf32, #tpu.memory_space<vmem>>[vector<16xi32>, vector<16xi32>], vector<16xf32>,
      %get3A_249 = arith.constant 1 : i32
      %get3A_250 = arith.index_cast %get3A_249 : i32 to index
      %get3A_251 = arith.constant 96 : index
      %get3A_252 = tpu.vector_load %arg7[%get3A_250, %get3A_251] {strides = array<i32>} : memref<3x128xf32, #tpu.memory_space<vmem>>, vector<16xf32>,
      %add3A_253 = arith.constant 96 : i32
      %add3A_254 = vector.broadcast %add3A_253 : i32 to vector<16xi32>
      %add3A_255 = arith.addi %add3A_254, %iota3A : vector<16xi32>
      tpu.vector_store_idx %arg8[%add3A_255, %broadcast_in_dim3A_206], %get3A_252 : memref<128x8xf32, #tpu.memory_space<vmem>>[vector<16xi32>, vector<16xi32>], vector<16xf32>,
      %get3A_256 = arith.constant 1 : i32
      %get3A_257 = arith.index_cast %get3A_256 : i32 to index
      %get3A_258 = arith.constant 112 : index
      %get3A_259 = tpu.vector_load %arg7[%get3A_257, %get3A_258] {strides = array<i32>} : memref<3x128xf32, #tpu.memory_space<vmem>>, vector<16xf32>,
      %add3A_260 = arith.constant 112 : i32
      %add3A_261 = vector.broadcast %add3A_260 : i32 to vector<16xi32>
      %add3A_262 = arith.addi %add3A_261, %iota3A : vector<16xi32>
      tpu.vector_store_idx %arg8[%add3A_262, %broadcast_in_dim3A_206], %get3A_259 : memref<128x8xf32, #tpu.memory_space<vmem>>[vector<16xi32>, vector<16xi32>], vector<16xf32>,
      %broadcast_in_dim3A_263 = arith.constant 2 : i32
      %broadcast_in_dim3A_264 = vector.broadcast %broadcast_in_dim3A_263 : i32 to vector<16xi32>
      %get3A_265 = arith.constant 2 : i32
      %get3A_266 = arith.index_cast %get3A_265 : i32 to index
      %get3A_267 = arith.constant 0 : index
      %get3A_268 = tpu.vector_load %arg7[%get3A_266, %get3A_267] {strides = array<i32>} : memref<3x128xf32, #tpu.memory_space<vmem>>, vector<16xf32>,
      %add3A_269 = arith.constant 0 : i32
      %add3A_270 = vector.broadcast %add3A_269 : i32 to vector<16xi32>
      %add3A_271 = arith.addi %add3A_270, %iota3A : vector<16xi32>
      tpu.vector_store_idx %arg8[%add3A_271, %broadcast_in_dim3A_264], %get3A_268 : memref<128x8xf32, #tpu.memory_space<vmem>>[vector<16xi32>, vector<16xi32>], vector<16xf32>,
      %get3A_272 = arith.constant 2 : i32
      %get3A_273 = arith.index_cast %get3A_272 : i32 to index
      %get3A_274 = arith.constant 16 : index
      %get3A_275 = tpu.vector_load %arg7[%get3A_273, %get3A_274] {strides = array<i32>} : memref<3x128xf32, #tpu.memory_space<vmem>>, vector<16xf32>,
      %add3A_276 = arith.constant 16 : i32
      %add3A_277 = vector.broadcast %add3A_276 : i32 to vector<16xi32>
      %add3A_278 = arith.addi %add3A_277, %iota3A : vector<16xi32>
      tpu.vector_store_idx %arg8[%add3A_278, %broadcast_in_dim3A_264], %get3A_275 : memref<128x8xf32, #tpu.memory_space<vmem>>[vector<16xi32>, vector<16xi32>], vector<16xf32>,
      %get3A_279 = arith.constant 2 : i32
      %get3A_280 = arith.index_cast %get3A_279 : i32 to index
      %get3A_281 = arith.constant 32 : index
      %get3A_282 = tpu.vector_load %arg7[%get3A_280, %get3A_281] {strides = array<i32>} : memref<3x128xf32, #tpu.memory_space<vmem>>, vector<16xf32>,
      %add3A_283 = arith.constant 32 : i32
      %add3A_284 = vector.broadcast %add3A_283 : i32 to vector<16xi32>
      %add3A_285 = arith.addi %add3A_284, %iota3A : vector<16xi32>
      tpu.vector_store_idx %arg8[%add3A_285, %broadcast_in_dim3A_264], %get3A_282 : memref<128x8xf32, #tpu.memory_space<vmem>>[vector<16xi32>, vector<16xi32>], vector<16xf32>,
      %get3A_286 = arith.constant 2 : i32
      %get3A_287 = arith.index_cast %get3A_286 : i32 to index
      %get3A_288 = arith.constant 48 : index
      %get3A_289 = tpu.vector_load %arg7[%get3A_287, %get3A_288] {strides = array<i32>} : memref<3x128xf32, #tpu.memory_space<vmem>>, vector<16xf32>,
      %add3A_290 = arith.constant 48 : i32
      %add3A_291 = vector.broadcast %add3A_290 : i32 to vector<16xi32>
      %add3A_292 = arith.addi %add3A_291, %iota3A : vector<16xi32>
      tpu.vector_store_idx %arg8[%add3A_292, %broadcast_in_dim3A_264], %get3A_289 : memref<128x8xf32, #tpu.memory_space<vmem>>[vector<16xi32>, vector<16xi32>], vector<16xf32>,
      %get3A_293 = arith.constant 2 : i32
      %get3A_294 = arith.index_cast %get3A_293 : i32 to index
      %get3A_295 = arith.constant 64 : index
      %get3A_296 = tpu.vector_load %arg7[%get3A_294, %get3A_295] {strides = array<i32>} : memref<3x128xf32, #tpu.memory_space<vmem>>, vector<16xf32>,
      %add3A_297 = arith.constant 64 : i32
      %add3A_298 = vector.broadcast %add3A_297 : i32 to vector<16xi32>
      %add3A_299 = arith.addi %add3A_298, %iota3A : vector<16xi32>
      tpu.vector_store_idx %arg8[%add3A_299, %broadcast_in_dim3A_264], %get3A_296 : memref<128x8xf32, #tpu.memory_space<vmem>>[vector<16xi32>, vector<16xi32>], vector<16xf32>,
      %get3A_300 = arith.constant 2 : i32
      %get3A_301 = arith.index_cast %get3A_300 : i32 to index
      %get3A_302 = arith.constant 80 : index
      %get3A_303 = tpu.vector_load %arg7[%get3A_301, %get3A_302] {strides = array<i32>} : memref<3x128xf32, #tpu.memory_space<vmem>>, vector<16xf32>,
      %add3A_304 = arith.constant 80 : i32
      %add3A_305 = vector.broadcast %add3A_304 : i32 to vector<16xi32>
      %add3A_306 = arith.addi %add3A_305, %iota3A : vector<16xi32>
      tpu.vector_store_idx %arg8[%add3A_306, %broadcast_in_dim3A_264], %get3A_303 : memref<128x8xf32, #tpu.memory_space<vmem>>[vector<16xi32>, vector<16xi32>], vector<16xf32>,
      %get3A_307 = arith.constant 2 : i32
      %get3A_308 = arith.index_cast %get3A_307 : i32 to index
      %get3A_309 = arith.constant 96 : index
      %get3A_310 = tpu.vector_load %arg7[%get3A_308, %get3A_309] {strides = array<i32>} : memref<3x128xf32, #tpu.memory_space<vmem>>, vector<16xf32>,
      %add3A_311 = arith.constant 96 : i32
      %add3A_312 = vector.broadcast %add3A_311 : i32 to vector<16xi32>
      %add3A_313 = arith.addi %add3A_312, %iota3A : vector<16xi32>
      tpu.vector_store_idx %arg8[%add3A_313, %broadcast_in_dim3A_264], %get3A_310 : memref<128x8xf32, #tpu.memory_space<vmem>>[vector<16xi32>, vector<16xi32>], vector<16xf32>,
      %get3A_314 = arith.constant 2 : i32
      %get3A_315 = arith.index_cast %get3A_314 : i32 to index
      %get3A_316 = arith.constant 112 : index
      %get3A_317 = tpu.vector_load %arg7[%get3A_315, %get3A_316] {strides = array<i32>} : memref<3x128xf32, #tpu.memory_space<vmem>>, vector<16xf32>,
      %add3A_318 = arith.constant 112 : i32
      %add3A_319 = vector.broadcast %add3A_318 : i32 to vector<16xi32>
      %add3A_320 = arith.addi %add3A_319, %iota3A : vector<16xi32>
      tpu.vector_store_idx %arg8[%add3A_320, %broadcast_in_dim3A_264], %get3A_317 : memref<128x8xf32, #tpu.memory_space<vmem>>[vector<16xi32>, vector<16xi32>], vector<16xf32>,
      "tpu.region"() ({
        %run_scoped3A = tpu.sem_alloc : memref<!tpu.dma_semaphore, #tpu.memory_space<semaphore_mem>>
        %dma_start3A = arith.constant 0 : i32
        %dma_start3A_321 = arith.constant 0 : i32
        %dma_start3A_322 = tpu.memref_slice %arg12[%select_n3A, %dma_start3A, %dma_start3A_321] : memref<4x28928x8xf32, #tpu.memory_space<vmem_shared>> -> memref<1x28928x8xf32, #tpu.memory_space<vmem_shared>>
        %dma_start3A_323 = tpu.memref_squeeze %dma_start3A_322 : memref<1x28928x8xf32, #tpu.memory_space<vmem_shared>> -> memref<28928x8xf32, #tpu.memory_space<vmem_shared>>
        %dma_start3A_324 = arith.constant 0 : i32
        %dma_start3A_325 = arith.constant 0 : i32
        %dma_start3A_326 = tpu.memref_slice %dma_start3A_323[%dma_start3A_324, %dma_start3A_325] : memref<28928x8xf32, #tpu.memory_space<vmem_shared>> -> memref<28928x8xf32, #tpu.memory_space<vmem_shared>>
        tpu.enqueue_indirect_dma source(%arg8 : memref<128x8xf32, #tpu.memory_space<vmem>>) target(%dma_start3A_326 : memref<28928x8xf32, #tpu.memory_space<vmem_shared>>) offsets(%arg6 : memref<128xi32, #tpu.memory_space<vmem>>) semaphore(%run_scoped3A : memref<!tpu.dma_semaphore, #tpu.memory_space<semaphore_mem>>) {add = true}
        %dma_wait3A = arith.constant 0 : i32
        %dma_wait3A_327 = arith.constant 0 : i32
        %dma_wait3A_328 = tpu.memref_slice %arg12[%select_n3A, %dma_wait3A, %dma_wait3A_327] : memref<4x28928x8xf32, #tpu.memory_space<vmem_shared>> -> memref<1x28928x8xf32, #tpu.memory_space<vmem_shared>>
        %dma_wait3A_329 = tpu.memref_squeeze %dma_wait3A_328 : memref<1x28928x8xf32, #tpu.memory_space<vmem_shared>> -> memref<28928x8xf32, #tpu.memory_space<vmem_shared>>
        %dma_wait3A_330 = arith.constant 0 : i32
        %dma_wait3A_331 = arith.constant 0 : i32
        %dma_wait3A_332 = tpu.memref_slice %dma_wait3A_329[%dma_wait3A_330, %dma_wait3A_331] : memref<28928x8xf32, #tpu.memory_space<vmem_shared>> -> memref<28928x8xf32, #tpu.memory_space<vmem_shared>>
        tpu.wait_indirect_dma semaphore(%run_scoped3A : memref<!tpu.dma_semaphore, #tpu.memory_space<semaphore_mem>>) src(%arg8 : memref<128x8xf32, #tpu.memory_space<vmem>>) dst(%dma_wait3A_332 : memref<28928x8xf32, #tpu.memory_space<vmem_shared>>)
        tpu.yield
      }) : () -> ()
    }
    %scan3A_41 = arith.constant 195 : i32
    %add3A_42 = arith.constant 24960 : i32
    %add3A_43 = arith.addi %mul3A_32, %add3A_42 : i32
    "tpu.region"() ({
      %run_scoped3A = tpu.sem_alloc : memref<!tpu.dma_semaphore, #tpu.memory_space<semaphore_mem>>
      %dma_start3A = tpu.memref_slice %arg2[%add3A_30, %add3A_43] : memref<8x100000xi32, #tpu.memory_space<hbm>> -> memref<1x40xi32, #tpu.memory_space<hbm>>
      %dma_start3A_143 = tpu.memref_squeeze %dma_start3A : memref<1x40xi32, #tpu.memory_space<hbm>> -> memref<40xi32, #tpu.memory_space<hbm>>
      %dma_start3A_144 = tpu.memref_slice %arg2[%add3A_30, %add3A_43] : memref<8x100000xi32, #tpu.memory_space<hbm>> -> memref<1x40xi32, #tpu.memory_space<hbm>>
      %dma_start3A_145 = tpu.memref_squeeze %dma_start3A_144 : memref<1x40xi32, #tpu.memory_space<hbm>> -> memref<40xi32, #tpu.memory_space<hbm>>
      tpu.enqueue_dma source(%dma_start3A_145 : memref<40xi32, #tpu.memory_space<hbm>>) target(%arg9 : memref<40xi32, #tpu.memory_space<vmem>>) target_semaphore(%run_scoped3A : memref<!tpu.dma_semaphore, #tpu.memory_space<semaphore_mem>>)
      %dma_wait3A = tpu.memref_slice %arg2[%add3A_30, %add3A_43] : memref<8x100000xi32, #tpu.memory_space<hbm>> -> memref<1x40xi32, #tpu.memory_space<hbm>>
      %dma_wait3A_146 = tpu.memref_squeeze %dma_wait3A : memref<1x40xi32, #tpu.memory_space<hbm>> -> memref<40xi32, #tpu.memory_space<hbm>>
      %dma_wait3A_147 = tpu.memref_slice %arg2[%add3A_30, %add3A_43] : memref<8x100000xi32, #tpu.memory_space<hbm>> -> memref<1x40xi32, #tpu.memory_space<hbm>>
      %dma_wait3A_148 = tpu.memref_squeeze %dma_wait3A_147 : memref<1x40xi32, #tpu.memory_space<hbm>> -> memref<40xi32, #tpu.memory_space<hbm>>
      tpu.wait_dma2 semaphore(%run_scoped3A : memref<!tpu.dma_semaphore, #tpu.memory_space<semaphore_mem>>) src(%dma_wait3A_148 : memref<40xi32, #tpu.memory_space<hbm>>) dst(%arg9 : memref<40xi32, #tpu.memory_space<vmem>>)
      tpu.yield
    }) : () -> ()
    "tpu.region"() ({
      %run_scoped3A = tpu.sem_alloc : memref<!tpu.dma_semaphore, #tpu.memory_space<semaphore_mem>>
      %dma_start3A = arith.constant 0 : i32
      %dma_start3A_143 = arith.constant 0 : i32
      %dma_start3A_144 = tpu.memref_slice %arg10[%dma_start3A, %dma_start3A_143] : memref<3x48xf32, #tpu.memory_space<vmem>> -> memref<3x40xf32, #tpu.memory_space<vmem>>
      %dma_start3A_145 = arith.constant 0 : i32
      %dma_start3A_146 = tpu.memref_slice %arg3[%add3A_30, %dma_start3A_145, %add3A_43] : memref<8x3x100000xf32, #tpu.memory_space<hbm>> -> memref<1x3x40xf32, #tpu.memory_space<hbm>>
      %dma_start3A_147 = tpu.memref_squeeze %dma_start3A_146 : memref<1x3x40xf32, #tpu.memory_space<hbm>> -> memref<3x40xf32, #tpu.memory_space<hbm>>
      %dma_start3A_148 = arith.constant 0 : i32
      %dma_start3A_149 = arith.constant 0 : i32
      %dma_start3A_150 = tpu.memref_slice %arg10[%dma_start3A_148, %dma_start3A_149] : memref<3x48xf32, #tpu.memory_space<vmem>> -> memref<3x40xf32, #tpu.memory_space<vmem>>
      %dma_start3A_151 = arith.constant 0 : i32
      %dma_start3A_152 = tpu.memref_slice %arg3[%add3A_30, %dma_start3A_151, %add3A_43] : memref<8x3x100000xf32, #tpu.memory_space<hbm>> -> memref<1x3x40xf32, #tpu.memory_space<hbm>>
      %dma_start3A_153 = tpu.memref_squeeze %dma_start3A_152 : memref<1x3x40xf32, #tpu.memory_space<hbm>> -> memref<3x40xf32, #tpu.memory_space<hbm>>
      tpu.enqueue_dma source(%dma_start3A_153 : memref<3x40xf32, #tpu.memory_space<hbm>>) target(%dma_start3A_150 : memref<3x40xf32, #tpu.memory_space<vmem>>) target_semaphore(%run_scoped3A : memref<!tpu.dma_semaphore, #tpu.memory_space<semaphore_mem>>)
      %dma_wait3A = arith.constant 0 : i32
      %dma_wait3A_154 = arith.constant 0 : i32
      %dma_wait3A_155 = tpu.memref_slice %arg10[%dma_wait3A, %dma_wait3A_154] : memref<3x48xf32, #tpu.memory_space<vmem>> -> memref<3x40xf32, #tpu.memory_space<vmem>>
      %dma_wait3A_156 = arith.constant 0 : i32
      %dma_wait3A_157 = tpu.memref_slice %arg3[%add3A_30, %dma_wait3A_156, %add3A_43] : memref<8x3x100000xf32, #tpu.memory_space<hbm>> -> memref<1x3x40xf32, #tpu.memory_space<hbm>>
      %dma_wait3A_158 = tpu.memref_squeeze %dma_wait3A_157 : memref<1x3x40xf32, #tpu.memory_space<hbm>> -> memref<3x40xf32, #tpu.memory_space<hbm>>
      %dma_wait3A_159 = arith.constant 0 : i32
      %dma_wait3A_160 = arith.constant 0 : i32
      %dma_wait3A_161 = tpu.memref_slice %arg10[%dma_wait3A_159, %dma_wait3A_160] : memref<3x48xf32, #tpu.memory_space<vmem>> -> memref<3x40xf32, #tpu.memory_space<vmem>>
      %dma_wait3A_162 = arith.constant 0 : i32
      %dma_wait3A_163 = tpu.memref_slice %arg3[%add3A_30, %dma_wait3A_162, %add3A_43] : memref<8x3x100000xf32, #tpu.memory_space<hbm>> -> memref<1x3x40xf32, #tpu.memory_space<hbm>>
      %dma_wait3A_164 = tpu.memref_squeeze %dma_wait3A_163 : memref<1x3x40xf32, #tpu.memory_space<hbm>> -> memref<3x40xf32, #tpu.memory_space<hbm>>
      tpu.wait_dma2 semaphore(%run_scoped3A : memref<!tpu.dma_semaphore, #tpu.memory_space<semaphore_mem>>) src(%dma_wait3A_164 : memref<3x40xf32, #tpu.memory_space<hbm>>) dst(%dma_wait3A_161 : memref<3x40xf32, #tpu.memory_space<vmem>>)
      tpu.yield
    }) : () -> ()
    %broadcast_in_dim3A = arith.constant 0 : i32
    %broadcast_in_dim3A_44 = vector.broadcast %broadcast_in_dim3A : i32 to vector<16xi32>
    %get3A = arith.constant 0 : i32
    %get3A_45 = arith.index_cast %get3A : i32 to index
    %get3A_46 = arith.constant 0 : index
    %get3A_47 = tpu.vector_load %arg10[%get3A_45, %get3A_46] {strides = array<i32>} : memref<3x48xf32, #tpu.memory_space<vmem>>, vector<16xf32>,
    %add3A_48 = arith.constant 0 : i32
    %add3A_49 = vector.broadcast %add3A_48 : i32 to vector<16xi32>
    %add3A_50 = arith.addi %add3A_49, %iota3A : vector<16xi32>
    %lt3A_51 = arith.constant 40 : i32
    %lt3A_52 = vector.broadcast %lt3A_51 : i32 to vector<16xi32>
    %lt3A_53 = arith.cmpi slt, %add3A_50, %lt3A_52 : vector<16xi32>
    tpu.vector_store_idx %arg11[%add3A_50, %broadcast_in_dim3A_44], %get3A_47 masked %lt3A_53 : memref<40x8xf32, #tpu.memory_space<vmem>>[vector<16xi32>, vector<16xi32>], vector<16xf32>, vector<16xi1>
    %get3A_54 = arith.constant 0 : i32
    %get3A_55 = arith.index_cast %get3A_54 : i32 to index
    %get3A_56 = arith.constant 16 : index
    %get3A_57 = tpu.vector_load %arg10[%get3A_55, %get3A_56] {strides = array<i32>} : memref<3x48xf32, #tpu.memory_space<vmem>>, vector<16xf32>,
    %add3A_58 = arith.constant 16 : i32
    %add3A_59 = vector.broadcast %add3A_58 : i32 to vector<16xi32>
    %add3A_60 = arith.addi %add3A_59, %iota3A : vector<16xi32>
    %lt3A_61 = arith.constant 40 : i32
    %lt3A_62 = vector.broadcast %lt3A_61 : i32 to vector<16xi32>
    %lt3A_63 = arith.cmpi slt, %add3A_60, %lt3A_62 : vector<16xi32>
    tpu.vector_store_idx %arg11[%add3A_60, %broadcast_in_dim3A_44], %get3A_57 masked %lt3A_63 : memref<40x8xf32, #tpu.memory_space<vmem>>[vector<16xi32>, vector<16xi32>], vector<16xf32>, vector<16xi1>
    %get3A_64 = arith.constant 0 : i32
    %get3A_65 = arith.index_cast %get3A_64 : i32 to index
    %get3A_66 = arith.constant 32 : index
    %get3A_67 = tpu.vector_load %arg10[%get3A_65, %get3A_66] {strides = array<i32>} : memref<3x48xf32, #tpu.memory_space<vmem>>, vector<16xf32>,
    %add3A_68 = arith.constant 32 : i32
    %add3A_69 = vector.broadcast %add3A_68 : i32 to vector<16xi32>
    %add3A_70 = arith.addi %add3A_69, %iota3A : vector<16xi32>
    %lt3A_71 = arith.constant 40 : i32
    %lt3A_72 = vector.broadcast %lt3A_71 : i32 to vector<16xi32>
    %lt3A_73 = arith.cmpi slt, %add3A_70, %lt3A_72 : vector<16xi32>
    tpu.vector_store_idx %arg11[%add3A_70, %broadcast_in_dim3A_44], %get3A_67 masked %lt3A_73 : memref<40x8xf32, #tpu.memory_space<vmem>>[vector<16xi32>, vector<16xi32>], vector<16xf32>, vector<16xi1>
    %broadcast_in_dim3A_74 = arith.constant 1 : i32
    %broadcast_in_dim3A_75 = vector.broadcast %broadcast_in_dim3A_74 : i32 to vector<16xi32>
    %get3A_76 = arith.constant 1 : i32
    %get3A_77 = arith.index_cast %get3A_76 : i32 to index
    %get3A_78 = arith.constant 0 : index
    %get3A_79 = tpu.vector_load %arg10[%get3A_77, %get3A_78] {strides = array<i32>} : memref<3x48xf32, #tpu.memory_space<vmem>>, vector<16xf32>,
    %add3A_80 = arith.constant 0 : i32
    %add3A_81 = vector.broadcast %add3A_80 : i32 to vector<16xi32>
    %add3A_82 = arith.addi %add3A_81, %iota3A : vector<16xi32>
    %lt3A_83 = arith.constant 40 : i32
    %lt3A_84 = vector.broadcast %lt3A_83 : i32 to vector<16xi32>
    %lt3A_85 = arith.cmpi slt, %add3A_82, %lt3A_84 : vector<16xi32>
    tpu.vector_store_idx %arg11[%add3A_82, %broadcast_in_dim3A_75], %get3A_79 masked %lt3A_85 : memref<40x8xf32, #tpu.memory_space<vmem>>[vector<16xi32>, vector<16xi32>], vector<16xf32>, vector<16xi1>
    %get3A_86 = arith.constant 1 : i32
    %get3A_87 = arith.index_cast %get3A_86 : i32 to index
    %get3A_88 = arith.constant 16 : index
    %get3A_89 = tpu.vector_load %arg10[%get3A_87, %get3A_88] {strides = array<i32>} : memref<3x48xf32, #tpu.memory_space<vmem>>, vector<16xf32>,
    %add3A_90 = arith.constant 16 : i32
    %add3A_91 = vector.broadcast %add3A_90 : i32 to vector<16xi32>
    %add3A_92 = arith.addi %add3A_91, %iota3A : vector<16xi32>
    %lt3A_93 = arith.constant 40 : i32
    %lt3A_94 = vector.broadcast %lt3A_93 : i32 to vector<16xi32>
    %lt3A_95 = arith.cmpi slt, %add3A_92, %lt3A_94 : vector<16xi32>
    tpu.vector_store_idx %arg11[%add3A_92, %broadcast_in_dim3A_75], %get3A_89 masked %lt3A_95 : memref<40x8xf32, #tpu.memory_space<vmem>>[vector<16xi32>, vector<16xi32>], vector<16xf32>, vector<16xi1>
    %get3A_96 = arith.constant 1 : i32
    %get3A_97 = arith.index_cast %get3A_96 : i32 to index
    %get3A_98 = arith.constant 32 : index
    %get3A_99 = tpu.vector_load %arg10[%get3A_97, %get3A_98] {strides = array<i32>} : memref<3x48xf32, #tpu.memory_space<vmem>>, vector<16xf32>,
    %add3A_100 = arith.constant 32 : i32
    %add3A_101 = vector.broadcast %add3A_100 : i32 to vector<16xi32>
    %add3A_102 = arith.addi %add3A_101, %iota3A : vector<16xi32>
    %lt3A_103 = arith.constant 40 : i32
    %lt3A_104 = vector.broadcast %lt3A_103 : i32 to vector<16xi32>
    %lt3A_105 = arith.cmpi slt, %add3A_102, %lt3A_104 : vector<16xi32>
    tpu.vector_store_idx %arg11[%add3A_102, %broadcast_in_dim3A_75], %get3A_99 masked %lt3A_105 : memref<40x8xf32, #tpu.memory_space<vmem>>[vector<16xi32>, vector<16xi32>], vector<16xf32>, vector<16xi1>
    %broadcast_in_dim3A_106 = arith.constant 2 : i32
    %broadcast_in_dim3A_107 = vector.broadcast %broadcast_in_dim3A_106 : i32 to vector<16xi32>
    %get3A_108 = arith.constant 2 : i32
    %get3A_109 = arith.index_cast %get3A_108 : i32 to index
    %get3A_110 = arith.constant 0 : index
    %get3A_111 = tpu.vector_load %arg10[%get3A_109, %get3A_110] {strides = array<i32>} : memref<3x48xf32, #tpu.memory_space<vmem>>, vector<16xf32>,
    %add3A_112 = arith.constant 0 : i32
    %add3A_113 = vector.broadcast %add3A_112 : i32 to vector<16xi32>
    %add3A_114 = arith.addi %add3A_113, %iota3A : vector<16xi32>
    %lt3A_115 = arith.constant 40 : i32
    %lt3A_116 = vector.broadcast %lt3A_115 : i32 to vector<16xi32>
    %lt3A_117 = arith.cmpi slt, %add3A_114, %lt3A_116 : vector<16xi32>
    tpu.vector_store_idx %arg11[%add3A_114, %broadcast_in_dim3A_107], %get3A_111 masked %lt3A_117 : memref<40x8xf32, #tpu.memory_space<vmem>>[vector<16xi32>, vector<16xi32>], vector<16xf32>, vector<16xi1>
    %get3A_118 = arith.constant 2 : i32
    %get3A_119 = arith.index_cast %get3A_118 : i32 to index
    %get3A_120 = arith.constant 16 : index
    %get3A_121 = tpu.vector_load %arg10[%get3A_119, %get3A_120] {strides = array<i32>} : memref<3x48xf32, #tpu.memory_space<vmem>>, vector<16xf32>,
    %add3A_122 = arith.constant 16 : i32
    %add3A_123 = vector.broadcast %add3A_122 : i32 to vector<16xi32>
    %add3A_124 = arith.addi %add3A_123, %iota3A : vector<16xi32>
    %lt3A_125 = arith.constant 40 : i32
    %lt3A_126 = vector.broadcast %lt3A_125 : i32 to vector<16xi32>
    %lt3A_127 = arith.cmpi slt, %add3A_124, %lt3A_126 : vector<16xi32>
    tpu.vector_store_idx %arg11[%add3A_124, %broadcast_in_dim3A_107], %get3A_121 masked %lt3A_127 : memref<40x8xf32, #tpu.memory_space<vmem>>[vector<16xi32>, vector<16xi32>], vector<16xf32>, vector<16xi1>
    %get3A_128 = arith.constant 2 : i32
    %get3A_129 = arith.index_cast %get3A_128 : i32 to index
    %get3A_130 = arith.constant 32 : index
    %get3A_131 = tpu.vector_load %arg10[%get3A_129, %get3A_130] {strides = array<i32>} : memref<3x48xf32, #tpu.memory_space<vmem>>, vector<16xf32>,
    %add3A_132 = arith.constant 32 : i32
    %add3A_133 = vector.broadcast %add3A_132 : i32 to vector<16xi32>
    %add3A_134 = arith.addi %add3A_133, %iota3A : vector<16xi32>
    %lt3A_135 = arith.constant 40 : i32
    %lt3A_136 = vector.broadcast %lt3A_135 : i32 to vector<16xi32>
    %lt3A_137 = arith.cmpi slt, %add3A_134, %lt3A_136 : vector<16xi32>
    tpu.vector_store_idx %arg11[%add3A_134, %broadcast_in_dim3A_107], %get3A_131 masked %lt3A_137 : memref<40x8xf32, #tpu.memory_space<vmem>>[vector<16xi32>, vector<16xi32>], vector<16xf32>, vector<16xi1>
    "tpu.region"() ({
      %run_scoped3A = tpu.sem_alloc : memref<!tpu.dma_semaphore, #tpu.memory_space<semaphore_mem>>
      %dma_start3A = arith.constant 0 : i32
      %dma_start3A_143 = arith.constant 0 : i32
      %dma_start3A_144 = tpu.memref_slice %arg12[%select_n3A, %dma_start3A, %dma_start3A_143] : memref<4x28928x8xf32, #tpu.memory_space<vmem_shared>> -> memref<1x28928x8xf32, #tpu.memory_space<vmem_shared>>
      %dma_start3A_145 = tpu.memref_squeeze %dma_start3A_144 : memref<1x28928x8xf32, #tpu.memory_space<vmem_shared>> -> memref<28928x8xf32, #tpu.memory_space<vmem_shared>>
      %dma_start3A_146 = arith.constant 0 : i32
      %dma_start3A_147 = arith.constant 0 : i32
      %dma_start3A_148 = tpu.memref_slice %dma_start3A_145[%dma_start3A_146, %dma_start3A_147] : memref<28928x8xf32, #tpu.memory_space<vmem_shared>> -> memref<28928x8xf32, #tpu.memory_space<vmem_shared>>
      tpu.enqueue_indirect_dma source(%arg11 : memref<40x8xf32, #tpu.memory_space<vmem>>) target(%dma_start3A_148 : memref<28928x8xf32, #tpu.memory_space<vmem_shared>>) offsets(%arg9 : memref<40xi32, #tpu.memory_space<vmem>>) semaphore(%run_scoped3A : memref<!tpu.dma_semaphore, #tpu.memory_space<semaphore_mem>>) {add = true}
      %dma_wait3A = arith.constant 0 : i32
      %dma_wait3A_149 = arith.constant 0 : i32
      %dma_wait3A_150 = tpu.memref_slice %arg12[%select_n3A, %dma_wait3A, %dma_wait3A_149] : memref<4x28928x8xf32, #tpu.memory_space<vmem_shared>> -> memref<1x28928x8xf32, #tpu.memory_space<vmem_shared>>
      %dma_wait3A_151 = tpu.memref_squeeze %dma_wait3A_150 : memref<1x28928x8xf32, #tpu.memory_space<vmem_shared>> -> memref<28928x8xf32, #tpu.memory_space<vmem_shared>>
      %dma_wait3A_152 = arith.constant 0 : i32
      %dma_wait3A_153 = arith.constant 0 : i32
      %dma_wait3A_154 = tpu.memref_slice %dma_wait3A_151[%dma_wait3A_152, %dma_wait3A_153] : memref<28928x8xf32, #tpu.memory_space<vmem_shared>> -> memref<28928x8xf32, #tpu.memory_space<vmem_shared>>
      tpu.wait_indirect_dma semaphore(%run_scoped3A : memref<!tpu.dma_semaphore, #tpu.memory_space<semaphore_mem>>) src(%arg11 : memref<40x8xf32, #tpu.memory_space<vmem>>) dst(%dma_wait3A_154 : memref<28928x8xf32, #tpu.memory_space<vmem_shared>>)
      tpu.yield
    }) : () -> ()
    %barrier3A_138 = arith.constant 0 : index
    tpu.barrier barrier_id(%barrier3A_138)
    %mul3A_139 = arith.constant 7232 : i32
    %mul3A_140 = arith.muli %select_n3A_28, %mul3A_139 : i32
    %mul3A_141 = arith.constant 7232 : i32
    %mul3A_142 = arith.muli %select_n3A_28, %mul3A_141 : i32
    "tpu.region"() ({
      %run_scoped3A = tpu.sem_alloc : memref<!tpu.dma_semaphore, #tpu.memory_space<semaphore_mem>>
      %dma_start3A = arith.constant 0 : i32
      %dma_start3A_143 = arith.constant 0 : i32
      %dma_start3A_144 = tpu.memref_slice %arg5[%add3A_30, %dma_start3A, %dma_start3A_143] : memref<8x28928x8xf32, #tpu.memory_space<hbm>> -> memref<1x28928x8xf32, #tpu.memory_space<hbm>>
      %dma_start3A_145 = tpu.memref_squeeze %dma_start3A_144 : memref<1x28928x8xf32, #tpu.memory_space<hbm>> -> memref<28928x8xf32, #tpu.memory_space<hbm>>
      %dma_start3A_146 = arith.constant 0 : i32
      %dma_start3A_147 = tpu.memref_slice %dma_start3A_145[%mul3A_142, %dma_start3A_146] : memref<28928x8xf32, #tpu.memory_space<hbm>> -> memref<7232x8xf32, #tpu.memory_space<hbm>>
      %dma_start3A_148 = arith.constant 0 : i32
      %dma_start3A_149 = arith.constant 0 : i32
      %dma_start3A_150 = tpu.memref_slice %arg12[%select_n3A, %dma_start3A_148, %dma_start3A_149] : memref<4x28928x8xf32, #tpu.memory_space<vmem_shared>> -> memref<1x28928x8xf32, #tpu.memory_space<vmem_shared>>
      %dma_start3A_151 = tpu.memref_squeeze %dma_start3A_150 : memref<1x28928x8xf32, #tpu.memory_space<vmem_shared>> -> memref<28928x8xf32, #tpu.memory_space<vmem_shared>>
      %dma_start3A_152 = arith.constant 0 : i32
      %dma_start3A_153 = tpu.memref_slice %dma_start3A_151[%mul3A_140, %dma_start3A_152] : memref<28928x8xf32, #tpu.memory_space<vmem_shared>> -> memref<7232x8xf32, #tpu.memory_space<vmem_shared>>
      tpu.enqueue_dma source(%dma_start3A_153 : memref<7232x8xf32, #tpu.memory_space<vmem_shared>>) target(%dma_start3A_147 : memref<7232x8xf32, #tpu.memory_space<hbm>>) target_semaphore(%run_scoped3A : memref<!tpu.dma_semaphore, #tpu.memory_space<semaphore_mem>>)
      %dma_wait3A = arith.constant 0 : i32
      %dma_wait3A_154 = arith.constant 0 : i32
      %dma_wait3A_155 = tpu.memref_slice %arg5[%add3A_30, %dma_wait3A, %dma_wait3A_154] : memref<8x28928x8xf32, #tpu.memory_space<hbm>> -> memref<1x28928x8xf32, #tpu.memory_space<hbm>>
      %dma_wait3A_156 = tpu.memref_squeeze %dma_wait3A_155 : memref<1x28928x8xf32, #tpu.memory_space<hbm>> -> memref<28928x8xf32, #tpu.memory_space<hbm>>
      %dma_wait3A_157 = arith.constant 0 : i32
      %dma_wait3A_158 = tpu.memref_slice %dma_wait3A_156[%mul3A_142, %dma_wait3A_157] : memref<28928x8xf32, #tpu.memory_space<hbm>> -> memref<7232x8xf32, #tpu.memory_space<hbm>>
      %dma_wait3A_159 = arith.constant 0 : i32
      %dma_wait3A_160 = arith.constant 0 : i32
      %dma_wait3A_161 = tpu.memref_slice %arg12[%select_n3A, %dma_wait3A_159, %dma_wait3A_160] : memref<4x28928x8xf32, #tpu.memory_space<vmem_shared>> -> memref<1x28928x8xf32, #tpu.memory_space<vmem_shared>>
      %dma_wait3A_162 = tpu.memref_squeeze %dma_wait3A_161 : memref<1x28928x8xf32, #tpu.memory_space<vmem_shared>> -> memref<28928x8xf32, #tpu.memory_space<vmem_shared>>
      %dma_wait3A_163 = arith.constant 0 : i32
      %dma_wait3A_164 = tpu.memref_slice %dma_wait3A_162[%mul3A_140, %dma_wait3A_163] : memref<28928x8xf32, #tpu.memory_space<vmem_shared>> -> memref<7232x8xf32, #tpu.memory_space<vmem_shared>>
      tpu.wait_dma2 semaphore(%run_scoped3A : memref<!tpu.dma_semaphore, #tpu.memory_space<semaphore_mem>>) src(%dma_wait3A_164 : memref<7232x8xf32, #tpu.memory_space<vmem_shared>>) dst(%dma_wait3A_158 : memref<7232x8xf32, #tpu.memory_space<hbm>>)
      tpu.yield
    }) : () -> ()
    return
  }
}

module attributes {stable_mosaic.version = 14 : i64} {
  func.func @_cells_body(%arg0: i32, %arg1: memref<1x3x100000xf32, #tpu.memory_space<vmem>>, %arg2: memref<1x8x12500xi32, #tpu.memory_space<vmem>>) attributes {dimension_semantics = [#tpu.dimension_semantics<arbitrary>], iteration_bounds = array<i64: 8>, scalar_prefetch = 0 : i64, scratch_operands = 0 : i64, tpu.core_type = #tpu.core_type<tc>, window_params = [{transform_indices = @transform_0, window_bounds = array<i64: 1, 3, 100000>}, {transform_indices = @transform_1, window_bounds = array<i64: 1, 8, 12500>}]} {
    %get3A = arith.constant 0 : index
    %get3A_0 = arith.constant 0 : index
    %get3A_1 = arith.constant 0 : index
    %get3A_2 = vector.load %arg1[%get3A, %get3A_0, %get3A_1] : memref<1x3x100000xf32, #tpu.memory_space<vmem>>, vector<1x3x100000xf32>
    %get3A_3 = vector.shape_cast %get3A_2 : vector<1x3x100000xf32> to vector<3x100000xf32>
    %iota3A = tpu.iota {dimensions = array<i32: 0>} : vector<3x3xi32>
    %iota3A_4 = tpu.iota {dimensions = array<i32: 1>} : vector<3x3xi32>
    %eq3A = arith.cmpi eq, %iota3A, %iota3A_4 : vector<3x3xi32>
    %convert_element_type3A = arith.extui %eq3A : vector<3x3xi1> to vector<3x3xi32>
    %convert_element_type3A_5 = arith.sitofp %convert_element_type3A : vector<3x3xi32> to vector<3x3xf32>
    %mul3A = arith.constant 3.000000e+00 : f32
    %mul3A_6 = vector.broadcast %mul3A : f32 to vector<3x3xf32>
    %mul3A_7 = arith.mulf %mul3A_6, %convert_element_type3A_5 : vector<3x3xf32>
    %sub3A = arith.constant 1.000000e+00 : f32
    %sub3A_8 = vector.broadcast %sub3A : f32 to vector<3x3xf32>
    %sub3A_9 = arith.subf %mul3A_7, %sub3A_8 : vector<3x3xf32>
    %sqrt3A = arith.constant 6.000000e+00 : f32
    %sqrt3A_10 = math.sqrt %sqrt3A : f32
    %div3A = vector.broadcast %sqrt3A_10 : f32 to vector<3x3xf32>
    %div3A_11 = arith.divf %sub3A_9, %div3A : vector<3x3xf32>
    %dot_general3A = arith.constant dense<0.000000e+00> : vector<3x100000xf32>
    %dot_general3A_12 = tpu.matmul %div3A_11, %get3A_3, %dot_general3A {dimension_numbers = #tpu.dot_dimension_numbers<[1], [0], [0], [1], [0, 0, 1, 1], [], []>, transpose_lhs_hint = false} : vector<3x3xf32>, vector<3x100000xf32>, vector<3x100000xf32> -> vector<3x100000xf32>
    %reshape3A = vector.shape_cast %dot_general3A_12 : vector<3x100000xf32> to vector<3x8x12500xf32>
    %slice3A = vector.extract_strided_slice %reshape3A {offsets = [0, 0, 0], sizes = [1, 8, 12500], strides = [1, 1, 1]} : vector<3x8x12500xf32> to vector<1x8x12500xf32>
    %squeeze3A = vector.shape_cast %slice3A : vector<1x8x12500xf32> to vector<8x12500xf32>
    %slice3A_13 = vector.extract_strided_slice %reshape3A {offsets = [1, 0, 0], sizes = [1, 8, 12500], strides = [1, 1, 1]} : vector<3x8x12500xf32> to vector<1x8x12500xf32>
    %squeeze3A_14 = vector.shape_cast %slice3A_13 : vector<1x8x12500xf32> to vector<8x12500xf32>
    %slice3A_15 = vector.extract_strided_slice %reshape3A {offsets = [2, 0, 0], sizes = [1, 8, 12500], strides = [1, 1, 1]} : vector<3x8x12500xf32> to vector<1x8x12500xf32>
    %squeeze3A_16 = vector.shape_cast %slice3A_15 : vector<1x8x12500xf32> to vector<8x12500xf32>
    %div3A_17 = arith.constant 3.000000e+00 : f32
    %div3A_18 = vector.broadcast %div3A_17 : f32 to vector<8x12500xf32>
    %div3A_19 = arith.divf %squeeze3A, %div3A_18 : vector<8x12500xf32>
    %round3A = math.roundeven %div3A_19 : vector<8x12500xf32>
    %div3A_20 = arith.constant 3.000000e+00 : f32
    %div3A_21 = vector.broadcast %div3A_20 : f32 to vector<8x12500xf32>
    %div3A_22 = arith.divf %squeeze3A_14, %div3A_21 : vector<8x12500xf32>
    %round3A_23 = math.roundeven %div3A_22 : vector<8x12500xf32>
    %div3A_24 = arith.constant 3.000000e+00 : f32
    %div3A_25 = vector.broadcast %div3A_24 : f32 to vector<8x12500xf32>
    %div3A_26 = arith.divf %squeeze3A_16, %div3A_25 : vector<8x12500xf32>
    %round3A_27 = math.roundeven %div3A_26 : vector<8x12500xf32>
    %mul3A_28 = arith.constant 3.000000e+00 : f32
    %mul3A_29 = vector.broadcast %mul3A_28 : f32 to vector<8x12500xf32>
    %mul3A_30 = arith.mulf %round3A, %mul3A_29 : vector<8x12500xf32>
    %sub3A_31 = arith.subf %squeeze3A, %mul3A_30 : vector<8x12500xf32>
    %mul3A_32 = arith.constant 3.000000e+00 : f32
    %mul3A_33 = vector.broadcast %mul3A_32 : f32 to vector<8x12500xf32>
    %mul3A_34 = arith.mulf %round3A_23, %mul3A_33 : vector<8x12500xf32>
    %sub3A_35 = arith.subf %squeeze3A_14, %mul3A_34 : vector<8x12500xf32>
    %mul3A_36 = arith.constant 3.000000e+00 : f32
    %mul3A_37 = vector.broadcast %mul3A_36 : f32 to vector<8x12500xf32>
    %mul3A_38 = arith.mulf %round3A_27, %mul3A_37 : vector<8x12500xf32>
    %sub3A_39 = arith.subf %squeeze3A_16, %mul3A_38 : vector<8x12500xf32>
    %gt3A = arith.cmpf ogt, %sub3A_35, %sub3A_31 : vector<8x12500xf32>
    %convert_element_type3A_40 = arith.extui %gt3A : vector<8x12500xi1> to vector<8x12500xi32>
    %gt3A_41 = arith.cmpf ogt, %sub3A_39, %sub3A_31 : vector<8x12500xf32>
    %convert_element_type3A_42 = arith.extui %gt3A_41 : vector<8x12500xi1> to vector<8x12500xi32>
    %add3A = arith.addi %convert_element_type3A_40, %convert_element_type3A_42 : vector<8x12500xi32>
    %ge3A = arith.cmpf oge, %sub3A_31, %sub3A_35 : vector<8x12500xf32>
    %convert_element_type3A_43 = arith.extui %ge3A : vector<8x12500xi1> to vector<8x12500xi32>
    %gt3A_44 = arith.cmpf ogt, %sub3A_39, %sub3A_35 : vector<8x12500xf32>
    %convert_element_type3A_45 = arith.extui %gt3A_44 : vector<8x12500xi1> to vector<8x12500xi32>
    %add3A_46 = arith.addi %convert_element_type3A_43, %convert_element_type3A_45 : vector<8x12500xi32>
    %add3A_47 = arith.addf %round3A, %round3A_23 : vector<8x12500xf32>
    %add3A_48 = arith.addf %add3A_47, %round3A_27 : vector<8x12500xf32>
    %gt3A_49 = arith.constant 0.000000e+00 : f32
    %gt3A_50 = vector.broadcast %gt3A_49 : f32 to vector<8x12500xf32>
    %gt3A_51 = arith.cmpf ogt, %add3A_48, %gt3A_50 : vector<8x12500xf32>
    %lt3A = arith.constant 0.000000e+00 : f32
    %lt3A_52 = vector.broadcast %lt3A : f32 to vector<8x12500xf32>
    %lt3A_53 = arith.cmpf olt, %add3A_48, %lt3A_52 : vector<8x12500xf32>
    %jit3A = arith.constant -1.000000e+00 : f32
    %jit3A_54 = arith.constant 0.000000e+00 : f32
    %broadcast_in_dim3A = vector.broadcast %jit3A : f32 to vector<8x12500xf32>
    %broadcast_in_dim3A_55 = vector.broadcast %jit3A_54 : f32 to vector<8x12500xf32>
    %select_n3A = arith.select %gt3A_51, %broadcast_in_dim3A, %broadcast_in_dim3A_55 : vector<8x12500xi1>, vector<8x12500xf32>
    %jit3A_56 = arith.constant 1.000000e+00 : f32
    %jit3A_57 = arith.constant 0.000000e+00 : f32
    %broadcast_in_dim3A_58 = vector.broadcast %jit3A_56 : f32 to vector<8x12500xf32>
    %broadcast_in_dim3A_59 = vector.broadcast %jit3A_57 : f32 to vector<8x12500xf32>
    %select_n3A_60 = arith.select %lt3A_53, %broadcast_in_dim3A_58, %broadcast_in_dim3A_59 : vector<8x12500xi1>, vector<8x12500xf32>
    %add3A_61 = arith.addf %select_n3A, %select_n3A_60 : vector<8x12500xf32>
    %convert_element_type3A_62 = arith.sitofp %add3A : vector<8x12500xi32> to vector<8x12500xf32>
    %sub3A_63 = arith.constant 3.000000e+00 : f32
    %sub3A_64 = vector.broadcast %sub3A_63 : f32 to vector<8x12500xf32>
    %sub3A_65 = arith.subf %sub3A_64, %add3A_48 : vector<8x12500xf32>
    %ge3A_66 = arith.cmpf oge, %convert_element_type3A_62, %sub3A_65 : vector<8x12500xf32>
    %and3A = arith.andi %ge3A_66, %gt3A_51 : vector<8x12500xi1>
    %neg3A = arith.constant 0.000000e+00 : f32
    %neg3A_67 = vector.broadcast %neg3A : f32 to vector<8x12500xf32>
    %neg3A_68 = arith.subf %neg3A_67, %add3A_48 : vector<8x12500xf32>
    %lt3A_69 = arith.cmpf olt, %convert_element_type3A_62, %neg3A_68 : vector<8x12500xf32>
    %and3A_70 = arith.andi %lt3A_69, %lt3A_53 : vector<8x12500xi1>
    %or3A = arith.ori %and3A, %and3A_70 : vector<8x12500xi1>
    %convert_element_type3A_71 = arith.extui %or3A : vector<8x12500xi1> to vector<8x12500xi32>
    %convert_element_type3A_72 = arith.sitofp %convert_element_type3A_71 : vector<8x12500xi32> to vector<8x12500xf32>
    %mul3A_73 = arith.mulf %add3A_61, %convert_element_type3A_72 : vector<8x12500xf32>
    %add3A_74 = arith.addf %round3A, %mul3A_73 : vector<8x12500xf32>
    %mul3A_75 = arith.constant 3.000000e+00 : f32
    %mul3A_76 = vector.broadcast %mul3A_75 : f32 to vector<8x12500xf32>
    %mul3A_77 = arith.mulf %mul3A_76, %mul3A_73 : vector<8x12500xf32>
    %convert_element_type3A_78 = arith.fptosi %mul3A_77 : vector<8x12500xf32> to vector<8x12500xi32>
    %add3A_79 = arith.addi %add3A, %convert_element_type3A_78 : vector<8x12500xi32>
    %convert_element_type3A_80 = arith.fptosi %add3A_48 : vector<8x12500xf32> to vector<8x12500xi32>
    %add3A_81 = arith.addi %add3A_79, %convert_element_type3A_80 : vector<8x12500xi32>
    %convert_element_type3A_82 = arith.sitofp %add3A_46 : vector<8x12500xi32> to vector<8x12500xf32>
    %sub3A_83 = arith.constant 3.000000e+00 : f32
    %sub3A_84 = vector.broadcast %sub3A_83 : f32 to vector<8x12500xf32>
    %sub3A_85 = arith.subf %sub3A_84, %add3A_48 : vector<8x12500xf32>
    %ge3A_86 = arith.cmpf oge, %convert_element_type3A_82, %sub3A_85 : vector<8x12500xf32>
    %and3A_87 = arith.andi %ge3A_86, %gt3A_51 : vector<8x12500xi1>
    %neg3A_88 = arith.constant 0.000000e+00 : f32
    %neg3A_89 = vector.broadcast %neg3A_88 : f32 to vector<8x12500xf32>
    %neg3A_90 = arith.subf %neg3A_89, %add3A_48 : vector<8x12500xf32>
    %lt3A_91 = arith.cmpf olt, %convert_element_type3A_82, %neg3A_90 : vector<8x12500xf32>
    %and3A_92 = arith.andi %lt3A_91, %lt3A_53 : vector<8x12500xi1>
    %or3A_93 = arith.ori %and3A_87, %and3A_92 : vector<8x12500xi1>
    %convert_element_type3A_94 = arith.extui %or3A_93 : vector<8x12500xi1> to vector<8x12500xi32>
    %convert_element_type3A_95 = arith.sitofp %convert_element_type3A_94 : vector<8x12500xi32> to vector<8x12500xf32>
    %mul3A_96 = arith.mulf %add3A_61, %convert_element_type3A_95 : vector<8x12500xf32>
    %add3A_97 = arith.addf %round3A_23, %mul3A_96 : vector<8x12500xf32>
    %mul3A_98 = arith.constant 3.000000e+00 : f32
    %mul3A_99 = vector.broadcast %mul3A_98 : f32 to vector<8x12500xf32>
    %mul3A_100 = arith.mulf %mul3A_99, %mul3A_96 : vector<8x12500xf32>
    %convert_element_type3A_101 = arith.fptosi %mul3A_100 : vector<8x12500xf32> to vector<8x12500xi32>
    %add3A_102 = arith.addi %add3A_46, %convert_element_type3A_101 : vector<8x12500xi32>
    %convert_element_type3A_103 = arith.fptosi %add3A_48 : vector<8x12500xf32> to vector<8x12500xi32>
    %add3A_104 = arith.addi %add3A_102, %convert_element_type3A_103 : vector<8x12500xi32>
    %mul3A_105 = arith.constant 3.000000e+00 : f32
    %mul3A_106 = vector.broadcast %mul3A_105 : f32 to vector<8x12500xf32>
    %mul3A_107 = arith.mulf %add3A_74, %mul3A_106 : vector<8x12500xf32>
    %convert_element_type3A_108 = arith.fptosi %mul3A_107 : vector<8x12500xf32> to vector<8x12500xi32>
    %mul3A_109 = arith.constant 3.000000e+00 : f32
    %mul3A_110 = vector.broadcast %mul3A_109 : f32 to vector<8x12500xf32>
    %mul3A_111 = arith.mulf %add3A_97, %mul3A_110 : vector<8x12500xf32>
    %convert_element_type3A_112 = arith.fptosi %mul3A_111 : vector<8x12500xf32> to vector<8x12500xi32>
    %jit3A_113 = arith.constant 0 : i32
    %jit3A_114 = arith.constant 2 : i32
    %max3A = vector.broadcast %jit3A_113 : i32 to vector<8x12500xi32>
    %max3A_115 = arith.maxsi %max3A, %add3A_81 : vector<8x12500xi32>
    %min3A = vector.broadcast %jit3A_114 : i32 to vector<8x12500xi32>
    %min3A_116 = arith.minsi %min3A, %max3A_115 : vector<8x12500xi32>
    %jit3A_117 = arith.constant 0 : i32
    %jit3A_118 = arith.constant 2 : i32
    %max3A_119 = vector.broadcast %jit3A_117 : i32 to vector<8x12500xi32>
    %max3A_120 = arith.maxsi %max3A_119, %add3A_104 : vector<8x12500xi32>
    %min3A_121 = vector.broadcast %jit3A_118 : i32 to vector<8x12500xi32>
    %min3A_122 = arith.minsi %min3A_121, %max3A_120 : vector<8x12500xi32>
    %sub3A_123 = arith.subi %convert_element_type3A_108, %min3A_116 : vector<8x12500xi32>
    %reduce_min3A = vector.shape_cast %sub3A_123 : vector<8x12500xi32> to vector<1x8x12500xi32>
    %reduce_min3A_124 = arith.constant dense<2147483647> : vector<1xi32>
    %reduce_min3A_125 = vector.multi_reduction <minsi>, %reduce_min3A, %reduce_min3A_124 [1, 2] : vector<1x8x12500xi32> to vector<1xi32>
    %reduce_min3A_126 = vector.shape_cast %reduce_min3A_125 : vector<1xi32> to vector<1x1x1xi32>
    %reduce_min3A_127 = vector.extract %reduce_min3A_126[0, 0, 0] : i32 from vector<1x1x1xi32>
    %sub3A_128 = arith.subi %convert_element_type3A_112, %min3A_122 : vector<8x12500xi32>
    %reduce_min3A_129 = vector.shape_cast %sub3A_128 : vector<8x12500xi32> to vector<1x8x12500xi32>
    %reduce_min3A_130 = arith.constant dense<2147483647> : vector<1xi32>
    %reduce_min3A_131 = vector.multi_reduction <minsi>, %reduce_min3A_129, %reduce_min3A_130 [1, 2] : vector<1x8x12500xi32> to vector<1xi32>
    %reduce_min3A_132 = vector.shape_cast %reduce_min3A_131 : vector<1xi32> to vector<1x1x1xi32>
    %reduce_min3A_133 = vector.extract %reduce_min3A_132[0, 0, 0] : i32 from vector<1x1x1xi32>
    %neg3A_134 = arith.constant 0 : i32
    %neg3A_135 = arith.subi %neg3A_134, %reduce_min3A_127 : i32
    %jit3A_136 = arith.constant 3 : i32
    %eq3A_137 = arith.constant 0 : i32
    %eq3A_138 = arith.cmpi eq, %jit3A_136, %eq3A_137 : i32
    %jit3A_139 = arith.constant 1 : i32
    %select_n3A_140 = arith.select %eq3A_138, %jit3A_139, %jit3A_136 : i32
    %rem3A = arith.remsi %neg3A_135, %select_n3A_140 : i32
    %ne3A = arith.constant 0 : i32
    %ne3A_141 = arith.cmpi ne, %rem3A, %ne3A : i32
    %lt3A_142 = arith.constant 0 : i32
    %lt3A_143 = arith.cmpi slt, %rem3A, %lt3A_142 : i32
    %lt3A_144 = arith.constant 0 : i32
    %lt3A_145 = arith.cmpi slt, %select_n3A_140, %lt3A_144 : i32
    %ne3A_146 = arith.xori %lt3A_143, %lt3A_145 : i1
    %and3A_147 = arith.andi %ne3A_146, %ne3A_141 : i1
    %add3A_148 = arith.addi %rem3A, %select_n3A_140 : i32
    %select_n3A_149 = arith.select %and3A_147, %add3A_148, %rem3A : i32
    %neg3A_150 = arith.constant 0 : i32
    %neg3A_151 = arith.subi %neg3A_150, %reduce_min3A_133 : i32
    %jit3A_152 = arith.constant 3 : i32
    %eq3A_153 = arith.constant 0 : i32
    %eq3A_154 = arith.cmpi eq, %jit3A_152, %eq3A_153 : i32
    %jit3A_155 = arith.constant 1 : i32
    %select_n3A_156 = arith.select %eq3A_154, %jit3A_155, %jit3A_152 : i32
    %rem3A_157 = arith.remsi %neg3A_151, %select_n3A_156 : i32
    %ne3A_158 = arith.constant 0 : i32
    %ne3A_159 = arith.cmpi ne, %rem3A_157, %ne3A_158 : i32
    %lt3A_160 = arith.constant 0 : i32
    %lt3A_161 = arith.cmpi slt, %rem3A_157, %lt3A_160 : i32
    %lt3A_162 = arith.constant 0 : i32
    %lt3A_163 = arith.cmpi slt, %select_n3A_156, %lt3A_162 : i32
    %ne3A_164 = arith.xori %lt3A_161, %lt3A_163 : i1
    %and3A_165 = arith.andi %ne3A_164, %ne3A_159 : i1
    %add3A_166 = arith.addi %rem3A_157, %select_n3A_156 : i32
    %select_n3A_167 = arith.select %and3A_165, %add3A_166, %rem3A_157 : i32
    %sub3A_168 = vector.broadcast %reduce_min3A_127 : i32 to vector<8x12500xi32>
    %sub3A_169 = arith.subi %convert_element_type3A_108, %sub3A_168 : vector<8x12500xi32>
    %sub3A_170 = vector.broadcast %reduce_min3A_133 : i32 to vector<8x12500xi32>
    %sub3A_171 = arith.subi %convert_element_type3A_112, %sub3A_170 : vector<8x12500xi32>
    %mul3A_172 = arith.constant 512 : i32
    %mul3A_173 = vector.broadcast %mul3A_172 : i32 to vector<8x12500xi32>
    %mul3A_174 = arith.muli %sub3A_169, %mul3A_173 : vector<8x12500xi32>
    %add3A_175 = arith.addi %mul3A_174, %sub3A_171 : vector<8x12500xi32>
    %ge3A_176 = arith.constant 0 : i32
    %ge3A_177 = vector.broadcast %ge3A_176 : i32 to vector<8x12500xi32>
    %ge3A_178 = arith.cmpi sge, %add3A_175, %ge3A_177 : vector<8x12500xi32>
    %lt3A_179 = arith.constant 262144 : i32
    %lt3A_180 = vector.broadcast %lt3A_179 : i32 to vector<8x12500xi32>
    %lt3A_181 = arith.cmpi slt, %add3A_175, %lt3A_180 : vector<8x12500xi32>
    %and3A_182 = arith.andi %ge3A_178, %lt3A_181 : vector<8x12500xi1>
    %shift_right_arithmetic3A = arith.constant 9 : i32
    %shift_right_arithmetic3A_183 = vector.broadcast %shift_right_arithmetic3A : i32 to vector<8x12500xi32>
    %shift_right_arithmetic3A_184 = arith.shrsi %add3A_175, %shift_right_arithmetic3A_183 : vector<8x12500xi32>
    %and3A_185 = arith.constant 511 : i32
    %and3A_186 = vector.broadcast %and3A_185 : i32 to vector<8x12500xi32>
    %and3A_187 = arith.andi %add3A_175, %and3A_186 : vector<8x12500xi32>
    %sub3A_188 = vector.broadcast %select_n3A_149 : i32 to vector<8x12500xi32>
    %sub3A_189 = arith.subi %shift_right_arithmetic3A_184, %sub3A_188 : vector<8x12500xi32>
    %sub3A_190 = vector.broadcast %select_n3A_167 : i32 to vector<8x12500xi32>
    %sub3A_191 = arith.subi %and3A_187, %sub3A_190 : vector<8x12500xi32>
    %ge3A_192 = arith.constant 0 : i32
    %ge3A_193 = vector.broadcast %ge3A_192 : i32 to vector<8x12500xi32>
    %ge3A_194 = arith.cmpi sge, %sub3A_189, %ge3A_193 : vector<8x12500xi32>
    %ge3A_195 = arith.constant 0 : i32
    %ge3A_196 = vector.broadcast %ge3A_195 : i32 to vector<8x12500xi32>
    %ge3A_197 = arith.cmpi sge, %sub3A_191, %ge3A_196 : vector<8x12500xi32>
    %and3A_198 = arith.andi %ge3A_194, %ge3A_197 : vector<8x12500xi1>
    %and3A_199 = arith.andi %and3A_182, %and3A_198 : vector<8x12500xi1>
    %jit3A_200 = arith.constant 3 : i32
    %eq3A_201 = arith.constant 0 : i32
    %eq3A_202 = arith.cmpi eq, %jit3A_200, %eq3A_201 : i32
    %jit3A_203 = arith.constant 1 : i32
    %select_n3A_204 = arith.select %eq3A_202, %jit3A_203, %jit3A_200 : i32
    %rem3A_205 = vector.broadcast %select_n3A_204 : i32 to vector<8x12500xi32>
    %rem3A_206 = arith.remsi %sub3A_189, %rem3A_205 : vector<8x12500xi32>
    %ne3A_207 = arith.constant 0 : i32
    %ne3A_208 = vector.broadcast %ne3A_207 : i32 to vector<8x12500xi32>
    %ne3A_209 = arith.cmpi ne, %rem3A_206, %ne3A_208 : vector<8x12500xi32>
    %lt3A_210 = arith.constant 0 : i32
    %lt3A_211 = vector.broadcast %lt3A_210 : i32 to vector<8x12500xi32>
    %lt3A_212 = arith.cmpi slt, %rem3A_206, %lt3A_211 : vector<8x12500xi32>
    %lt3A_213 = arith.constant 0 : i32
    %lt3A_214 = arith.cmpi slt, %select_n3A_204, %lt3A_213 : i32
    %ne3A_215 = vector.broadcast %lt3A_214 : i1 to vector<8x12500xi1>
    %ne3A_216 = vector.broadcast %ne3A_215 : vector<8x12500xi1> to vector<8x12500xi1>
    %ne3A_217 = arith.xori %lt3A_212, %ne3A_216 : vector<8x12500xi1>
    %and3A_218 = arith.andi %ne3A_217, %ne3A_209 : vector<8x12500xi1>
    %add3A_219 = vector.broadcast %select_n3A_204 : i32 to vector<8x12500xi32>
    %add3A_220 = arith.addi %rem3A_206, %add3A_219 : vector<8x12500xi32>
    %select_n3A_221 = arith.select %and3A_218, %add3A_220, %rem3A_206 : vector<8x12500xi1>, vector<8x12500xi32>
    %eq3A_222 = arith.constant 0 : i32
    %eq3A_223 = vector.broadcast %eq3A_222 : i32 to vector<8x12500xi32>
    %eq3A_224 = arith.cmpi eq, %select_n3A_221, %eq3A_223 : vector<8x12500xi32>
    %jit3A_225 = arith.constant 3 : i32
    %eq3A_226 = arith.constant 0 : i32
    %eq3A_227 = arith.cmpi eq, %jit3A_225, %eq3A_226 : i32
    %jit3A_228 = arith.constant 1 : i32
    %select_n3A_229 = arith.select %eq3A_227, %jit3A_228, %jit3A_225 : i32
    %rem3A_230 = vector.broadcast %select_n3A_229 : i32 to vector<8x12500xi32>
    %rem3A_231 = arith.remsi %sub3A_191, %rem3A_230 : vector<8x12500xi32>
    %ne3A_232 = arith.constant 0 : i32
    %ne3A_233 = vector.broadcast %ne3A_232 : i32 to vector<8x12500xi32>
    %ne3A_234 = arith.cmpi ne, %rem3A_231, %ne3A_233 : vector<8x12500xi32>
    %lt3A_235 = arith.constant 0 : i32
    %lt3A_236 = vector.broadcast %lt3A_235 : i32 to vector<8x12500xi32>
    %lt3A_237 = arith.cmpi slt, %rem3A_231, %lt3A_236 : vector<8x12500xi32>
    %lt3A_238 = arith.constant 0 : i32
    %lt3A_239 = arith.cmpi slt, %select_n3A_229, %lt3A_238 : i32
    %ne3A_240 = vector.broadcast %lt3A_239 : i1 to vector<8x12500xi1>
    %ne3A_241 = vector.broadcast %ne3A_240 : vector<8x12500xi1> to vector<8x12500xi1>
    %ne3A_242 = arith.xori %lt3A_237, %ne3A_241 : vector<8x12500xi1>
    %and3A_243 = arith.andi %ne3A_242, %ne3A_234 : vector<8x12500xi1>
    %add3A_244 = vector.broadcast %select_n3A_229 : i32 to vector<8x12500xi32>
    %add3A_245 = arith.addi %rem3A_231, %add3A_244 : vector<8x12500xi32>
    %select_n3A_246 = arith.select %and3A_243, %add3A_245, %rem3A_231 : vector<8x12500xi1>, vector<8x12500xi32>
    %eq3A_247 = arith.constant 0 : i32
    %eq3A_248 = vector.broadcast %eq3A_247 : i32 to vector<8x12500xi32>
    %eq3A_249 = arith.cmpi eq, %select_n3A_246, %eq3A_248 : vector<8x12500xi32>
    %and3A_250 = arith.andi %eq3A_224, %eq3A_249 : vector<8x12500xi1>
    %and3A_251 = arith.andi %and3A_199, %and3A_250 : vector<8x12500xi1>
    %jit3A_252 = arith.constant 3 : i32
    %div3A_253 = vector.broadcast %jit3A_252 : i32 to vector<8x12500xi32>
    %div3A_254 = arith.divsi %sub3A_189, %div3A_253 : vector<8x12500xi32>
    %sign3A = arith.constant 0 : i32
    %sign3A_255 = vector.broadcast %sign3A : i32 to vector<8x12500xi32>
    %sign3A_256 = arith.cmpi sgt, %sub3A_189, %sign3A_255 : vector<8x12500xi32>
    %sign3A_257 = arith.extui %sign3A_256 : vector<8x12500xi1> to vector<8x12500xi32>
    %sign3A_258 = arith.constant 0 : i32
    %sign3A_259 = vector.broadcast %sign3A_258 : i32 to vector<8x12500xi32>
    %sign3A_260 = arith.cmpi slt, %sub3A_189, %sign3A_259 : vector<8x12500xi32>
    %sign3A_261 = arith.extui %sign3A_260 : vector<8x12500xi1> to vector<8x12500xi32>
    %sign3A_262 = arith.subi %sign3A_257, %sign3A_261 : vector<8x12500xi32>
    %sign3A_263 = arith.constant 0 : i32
    %sign3A_264 = arith.cmpi sgt, %jit3A_252, %sign3A_263 : i32
    %sign3A_265 = arith.extui %sign3A_264 : i1 to i32
    %sign3A_266 = arith.constant 0 : i32
    %sign3A_267 = arith.cmpi slt, %jit3A_252, %sign3A_266 : i32
    %sign3A_268 = arith.extui %sign3A_267 : i1 to i32
    %sign3A_269 = arith.subi %sign3A_265, %sign3A_268 : i32
    %ne3A_270 = vector.broadcast %sign3A_269 : i32 to vector<8x12500xi32>
    %ne3A_271 = arith.cmpi ne, %sign3A_262, %ne3A_270 : vector<8x12500xi32>
    %rem3A_272 = vector.broadcast %jit3A_252 : i32 to vector<8x12500xi32>
    %rem3A_273 = arith.remsi %sub3A_189, %rem3A_272 : vector<8x12500xi32>
    %ne3A_274 = arith.constant 0 : i32
    %ne3A_275 = vector.broadcast %ne3A_274 : i32 to vector<8x12500xi32>
    %ne3A_276 = arith.cmpi ne, %rem3A_273, %ne3A_275 : vector<8x12500xi32>
    %and3A_277 = arith.andi %ne3A_271, %ne3A_276 : vector<8x12500xi1>
    %sub3A_278 = arith.constant 1 : i32
    %sub3A_279 = vector.broadcast %sub3A_278 : i32 to vector<8x12500xi32>
    %sub3A_280 = arith.subi %div3A_254, %sub3A_279 : vector<8x12500xi32>
    %select_n3A_281 = arith.select %and3A_277, %sub3A_280, %div3A_254 : vector<8x12500xi1>, vector<8x12500xi32>
    %jit3A_282 = arith.constant 3 : i32
    %div3A_283 = vector.broadcast %jit3A_282 : i32 to vector<8x12500xi32>
    %div3A_284 = arith.divsi %sub3A_191, %div3A_283 : vector<8x12500xi32>
    %sign3A_285 = arith.constant 0 : i32
    %sign3A_286 = vector.broadcast %sign3A_285 : i32 to vector<8x12500xi32>
    %sign3A_287 = arith.cmpi sgt, %sub3A_191, %sign3A_286 : vector<8x12500xi32>
    %sign3A_288 = arith.extui %sign3A_287 : vector<8x12500xi1> to vector<8x12500xi32>
    %sign3A_289 = arith.constant 0 : i32
    %sign3A_290 = vector.broadcast %sign3A_289 : i32 to vector<8x12500xi32>
    %sign3A_291 = arith.cmpi slt, %sub3A_191, %sign3A_290 : vector<8x12500xi32>
    %sign3A_292 = arith.extui %sign3A_291 : vector<8x12500xi1> to vector<8x12500xi32>
    %sign3A_293 = arith.subi %sign3A_288, %sign3A_292 : vector<8x12500xi32>
    %sign3A_294 = arith.constant 0 : i32
    %sign3A_295 = arith.cmpi sgt, %jit3A_282, %sign3A_294 : i32
    %sign3A_296 = arith.extui %sign3A_295 : i1 to i32
    %sign3A_297 = arith.constant 0 : i32
    %sign3A_298 = arith.cmpi slt, %jit3A_282, %sign3A_297 : i32
    %sign3A_299 = arith.extui %sign3A_298 : i1 to i32
    %sign3A_300 = arith.subi %sign3A_296, %sign3A_299 : i32
    %ne3A_301 = vector.broadcast %sign3A_300 : i32 to vector<8x12500xi32>
    %ne3A_302 = arith.cmpi ne, %sign3A_293, %ne3A_301 : vector<8x12500xi32>
    %rem3A_303 = vector.broadcast %jit3A_282 : i32 to vector<8x12500xi32>
    %rem3A_304 = arith.remsi %sub3A_191, %rem3A_303 : vector<8x12500xi32>
    %ne3A_305 = arith.constant 0 : i32
    %ne3A_306 = vector.broadcast %ne3A_305 : i32 to vector<8x12500xi32>
    %ne3A_307 = arith.cmpi ne, %rem3A_304, %ne3A_306 : vector<8x12500xi32>
    %and3A_308 = arith.andi %ne3A_302, %ne3A_307 : vector<8x12500xi1>
    %sub3A_309 = arith.constant 1 : i32
    %sub3A_310 = vector.broadcast %sub3A_309 : i32 to vector<8x12500xi32>
    %sub3A_311 = arith.subi %div3A_284, %sub3A_310 : vector<8x12500xi32>
    %select_n3A_312 = arith.select %and3A_308, %sub3A_311, %div3A_284 : vector<8x12500xi1>, vector<8x12500xi32>
    %lt3A_313 = arith.constant 170 : i32
    %lt3A_314 = vector.broadcast %lt3A_313 : i32 to vector<8x12500xi32>
    %lt3A_315 = arith.cmpi slt, %select_n3A_281, %lt3A_314 : vector<8x12500xi32>
    %lt3A_316 = arith.constant 170 : i32
    %lt3A_317 = vector.broadcast %lt3A_316 : i32 to vector<8x12500xi32>
    %lt3A_318 = arith.cmpi slt, %select_n3A_312, %lt3A_317 : vector<8x12500xi32>
    %and3A_319 = arith.andi %lt3A_315, %lt3A_318 : vector<8x12500xi1>
    %and3A_320 = arith.andi %and3A_251, %and3A_319 : vector<8x12500xi1>
    %mul3A_321 = arith.constant 170 : i32
    %mul3A_322 = vector.broadcast %mul3A_321 : i32 to vector<8x12500xi32>
    %mul3A_323 = arith.muli %select_n3A_281, %mul3A_322 : vector<8x12500xi32>
    %add3A_324 = arith.addi %mul3A_323, %select_n3A_312 : vector<8x12500xi32>
    %jit3A_325 = arith.constant 28900 : i32
    %broadcast_in_dim3A_326 = vector.broadcast %jit3A_325 : i32 to vector<8x12500xi32>
    %select_n3A_327 = arith.select %and3A_320, %add3A_324, %broadcast_in_dim3A_326 : vector<8x12500xi1>, vector<8x12500xi32>
    %swap3A = arith.constant 0 : index
    %swap3A_328 = arith.constant 0 : index
    %swap3A_329 = arith.constant 0 : index
    %swap3A_330 = vector.load %arg2[%swap3A, %swap3A_328, %swap3A_329] : memref<1x8x12500xi32, #tpu.memory_space<vmem>>, vector<1x8x12500xi32>
    %swap3A_331 = vector.shape_cast %swap3A_330 : vector<1x8x12500xi32> to vector<8x12500xi32>
    %swap3A_332 = vector.shape_cast %select_n3A_327 : vector<8x12500xi32> to vector<1x8x12500xi32>
    tpu.vector_store %arg2[%swap3A, %swap3A_328, %swap3A_329], %swap3A_332 {strides = array<i32>} : memref<1x8x12500xi32, #tpu.memory_space<vmem>>, vector<1x8x12500xi32>,
    return
  }
  func.func @transform_0(%arg0: i32) -> (i32, i32, i32) {
    %c0_i32 = arith.constant 0 : i32
    %c0_i32_0 = arith.constant 0 : i32
    %c0_i32_1 = arith.constant 0 : i32
    return %arg0, %c0_i32, %c0_i32_0 : i32, i32, i32
  }
  func.func @transform_1(%arg0: i32) -> (i32, i32, i32) {
    %c0_i32 = arith.constant 0 : i32
    %c0_i32_0 = arith.constant 0 : i32
    %c0_i32_1 = arith.constant 0 : i32
    return %arg0, %c0_i32, %c0_i32_0 : i32, i32, i32
  }
}

</mosaic_0001>

<sc_bundles>
// kernel: kernel.4.cloned.1.call-start
scs
__scs_entry_jumppad:
0x0: {  	(pc) =	sbr.rel $0x88, $3  }
0x1: {  	(tag) =	ssettag $0x0;
	lr =	simm.s32 $0x1  }
0x2: {  	[smem:$0x3F9F] =	sst lr;
	_ =	strace $0xD0000000  }
0x3: {  	_ = 	snop  }
0x4: {  	_ = 	snop  }
0x5: {  	_ = 	snop  }
0x6: {  	_ = 	snop  }
0x7: {  	_ = 	snop  }
__scs_overlays_trampoline_lowered:
0x8: {  	[smem:$0x3FAE] =	sst s0  }
0x9: {  	[smem:$0x3FAF] =	sst s1  }
0xa: {  	[smem:$0x3FB0] =	sst s2  }
0xb: {  	[smem:$0x3FB1] =	sst s3  }
0xc: {  	[smem:$0x3FB2] =	sst s4  }
0xd: {  	[smem:$0x3FB3] =	sst s5  }
0xe: {  	[smem:$0x3FB4] =	sst s6  }
0xf: {  	[smem:$0x3FB5] =	sst s7  }
0x10: {  	[smem:$0x3FB6] =	sst s8  }
0x11: {  	[smem:$0x3FB7] =	sst s9;
	s0 =	simm.s32 @!p0 $0x0  }
0x12: {  	s1 =	sld [smem:$0x3F9D];
	s0 =	simm.s32 @p0 $0x1  }
0x13: {  	[smem:$0x3FB8] =	sst s0;
	s0 =	simm.s32 @!p1 $0x0  }
0x14: {  	s2 =	sld [smem:$0x3F9C];
	s0 =	simm.s32 @p1 $0x1  }
0x15: {  	[smem:$0x3FB9] =	sst s0;
	s0 =	simm.s32 @!p2 $0x0  }
0x16: {  	s3 =	sld [smem:$0x3FDB];
	s0 =	simm.s32 @p2 $0x1  }
0x17: {  	s4 =	simm.s32 $0x1BF5;
	[smem:$0x3FBB] =	sst s0  }
0x18: {  	s0 =	sld [smem:$0x3F9E];
	_ =	swait.ge [sflag:s4], $0x0  }
0x19: {  	s7 =	sld [smem:$0x3F9F]  }
0x1a: {  	s8 =	sadd.s32 $0xFFFFE003, lr  }
0x1b: {  	s9 =	sadd.s32 $0xFFFFFEF7, lr;
	s5 =	simm.s32 $0xFFFFFFFF;
	p2 =	slt.u32 s8, $0xFFFFF086  }
0x1c: {  	p1 =	slt.u32 s9, $0xF7A;
	s5 =	simm.s32 @!p2 $0x0  }
0x1d: {  	s5 =	simm.s32 @p1 $0x1;
	p0 =	seq.s32 s7, s2  }
0x1e: {  	s7 =	smul.u32 @!p0 $0xF7A, s2;
	p2 =	seq.s32 @!p0 s5, $0x0  }
0x1f: {  	s9 =	smul.u32 $0xF7A, s1;
	s8 =	simm.s32 @!p0 $0x1BF5;
	p2 =	por !p2, p0  }
0x20: {  	[sflag:s8] =	ssyncset.s32 @!p0 $0xFFFFF086;
	s6 =	sadd.s32 @!p0 s3, s7;
	s7 =	simm.s32 @!p0 $0x108  }
0x21: {  	s3 =	sadd.s32 s3, s9;
	s6 =	sadd.s32 @!p0 $0x88, s6;
	s7 =	simm.s32 @p2 $0x1082  }
0x22: {  	[simem:s7], [sflag:s8] =	dma.local @!p0 [hbm:s6], $0xF7A  }
0x23: {  	s9 =	sor.u32 $0xD0000000, s2;
	s6 =	simm.s32 $0x108;
	_ =	swait.ge @!p0 [sflag:s8], $0x0  }
0x24: {  	s3 =	sadd.s32 $0x88, s3;
	s6 =	simm.s32 @!p1 $0x1082;
	[sflag:s4] =	ssyncset.s32 $0xFFFFF086  }
0x25: {  	[simem:s6], [sflag:s4] =	dma.local [hbm:s3], $0xF7A  }
0x26: {  	[smem:$0x3F9F] =	sst s1;
	(tag) =	ssettag s2;
	_ =	strace s9  }
0x27: {  	s1 =	sld [smem:$0x3FAF]  }
0x28: {  	s2 =	sld [smem:$0x3FB0]  }
0x29: {  	s4 =	sld [smem:$0x3FB2]  }
0x2a: {  	p0 =	seq.s32 s5, $0x0;
	s5 =	sld [smem:$0x3FB3]  }
0x2b: {  	s6 =	sld [smem:$0x3FB4]  }
0x2c: {  	s7 =	sld [smem:$0x3FB5]  }
0x2d: {  	s3 =	simm.s32 $0x108;
	s8 =	sld [smem:$0x3FB6]  }
0x2e: {  	s3 =	simm.s32 @!p0 $0x1082;
	s9 =	sld [smem:$0x3FB7]  }
0x2f: {  	lr =	sadd.s32 s0, s3;
	s0 =	sld [smem:$0x3FAE]  }
0x30: {  	s3 =	sld [smem:$0x3FB1]  }
0x31: {  	[smem:$0x3FBA] =	sst s10  }
0x32: {  	s10 =	sld [smem:$0x3FB8];
	_ =	sdelay $0x3  }
0x33: {  	p0 =	seq.s32 s10, $0x1;
	s10 =	sld [smem:$0x3FBA];
	_ =	sdelay $0x3  }
0x34: {  	[smem:$0x3FBA] =	sst s10  }
0x35: {  	s10 =	sld [smem:$0x3FB9];
	_ =	sdelay $0x3  }
0x36: {  	p1 =	seq.s32 s10, $0x1;
	s10 =	sld [smem:$0x3FBA];
	_ =	sdelay $0x3  }
0x37: {  	[smem:$0x3FBA] =	sst s10  }
0x38: {  	s10 =	sld [smem:$0x3FBB]  }
0x39: {  	_ = 	snop;
	(pc) =	sbr.ind lr, $3  }
0x3a: {  	_ = 	snop  }
0x3b: {  	_ = 	snop  }
0x3c: {  	p2 =	seq.s32 s10, $0x1;
	s10 =	sld [smem:$0x3FBA]  }
0x3d: {  	_ =	shalt  }
0x3e: {  	_ =	shalt  }
0x3f: {  	_ =	shalt  }
0x40: {  	_ =	shalt  }
0x41: {  	_ =	shalt  }
0x42: {  	_ =	shalt  }
0x43: {  	_ =	shalt  }
0x44: {  	_ =	shalt  }
0x45: {  	_ =	shalt  }
0x46: {  	_ =	shalt  }
0x47: {  	_ =	shalt  }
0x48: {  	_ =	shalt  }
0x49: {  	_ =	shalt  }
0x4a: {  	_ =	shalt  }
0x4b: {  	_ =	shalt  }
0x4c: {  	_ =	shalt  }
0x4d: {  	_ =	shalt  }
0x4e: {  	_ =	shalt  }
0x4f: {  	_ =	shalt  }
0x50: {  	_ =	shalt  }
0x51: {  	_ =	shalt  }
0x52: {  	_ =	shalt  }
0x53: {  	_ =	shalt  }
0x54: {  	_ =	shalt  }
0x55: {  	_ =	shalt  }
0x56: {  	_ =	shalt  }
0x57: {  	_ =	shalt  }
0x58: {  	_ =	shalt  }
0x59: {  	_ =	shalt  }
0x5a: {  	_ =	shalt  }
0x5b: {  	_ =	shalt  }
0x5c: {  	_ =	shalt  }
0x5d: {  	_ =	shalt  }
0x5e: {  	_ =	shalt  }
0x5f: {  	_ =	shalt  }
0x60: {  	_ =	shalt  }
0x61: {  	_ =	shalt  }
0x62: {  	_ =	shalt  }
0x63: {  	_ =	shalt  }
0x64: {  	_ =	shalt  }
0x65: {  	_ =	shalt  }
0x66: {  	_ =	shalt  }
0x67: {  	_ =	shalt  }
0x68: {  	_ =	shalt  }
0x69: {  	_ =	shalt  }
0x6a: {  	_ =	shalt  }
0x6b: {  	_ =	shalt  }
0x6c: {  	_ =	shalt  }
0x6d: {  	_ =	shalt  }
0x6e: {  	_ =	shalt  }
0x6f: {  	_ =	shalt  }
0x70: {  	_ =	shalt  }
0x71: {  	_ =	shalt  }
0x72: {  	_ =	shalt  }
0x73: {  	_ =	shalt  }
0x74: {  	_ =	shalt  }
0x75: {  	_ =	shalt  }
0x76: {  	_ =	shalt  }
0x77: {  	_ =	shalt  }
0x78: {  	_ =	shalt  }
0x79: {  	_ =	shalt  }
0x7a: {  	_ =	shalt  }
0x7b: {  	_ =	shalt  }
0x7c: {  	_ =	shalt  }
0x7d: {  	_ =	shalt  }
0x7e: {  	_ =	shalt  }
0x7f: {  	_ =	shalt  }
0x80: {  	_ =	shalt  }
0x81: {  	_ =	shalt  }
0x82: {  	_ =	shalt  }
0x83: {  	_ =	shalt  }
0x84: {  	_ =	shalt  }
0x85: {  	_ =	shalt  }
0x86: {  	_ =	shalt  }
0x87: {  	_ =	shalt  }
.Lfunc_end0:
.L_simem_size_0:
called_computation_lowered:
.L_overlay_start_0:
0x88: {  	s2 =	sld [smem:$0x3FD9]  }
0x89: {  	s3 =	sld [smem:$0x3FFE];
	_ =	sdelay $0x1  }
0x8a: {  	s1 =	srdreg.scid  }
0x8b: {  	s0 =	sand.u32 $0x1, s1  }
0x8c: {  	s14 =	sshll.u32 s0, $0xA;
	s2 =	sadd.s32 s3, s2  }
0x8d: {  	s2 =	sadd.s32 s2, s14  }
0x8e: {  	[smem:$0x3FC6] =	sst s2  }
0x8f: {  	_ = 	snop  }
0x90: {  	s2 =	sld [smem:$0x3FD0];
	_ =	sdelay $0x2  }
0x91: {  	s15 =	simm.s32 $0xA;
	s4 =	simm.s32 $0x10  }
0x92: {  	[smem:s4], [sflag:s15] =	dma.local [hbm:s2], $0x1  }
0x93: {  	_ =	swait.eq [sflag:s15], $0x1  }
0x94: {  	[sflag:s15] =	ssyncset.done $0x0  }
0x95: {  	s16 =	sld [smem:$0x10];
	[sflag:s15] =	ssyncadd.s32 $0xFFFFFFFF  }
0x96: {  	s17 =	sld [smem:$0x11];
	(tm) =	ssettm $0x1  }
0x97: {  	s18 =	sld [smem:$0x3FFB];
	_ =	sdelay $0x3  }
0x98: {  	_ =	strace s18  }
0x99: {  	s4 =	sld [smem:$0x3FFC];
	_ =	sdelay $0x3  }
0x9a: {  	_ =	strace s4  }
0x9b: {  	s4 =	sld [smem:$0x3FFD];
	_ =	sdelay $0x3  }
0x9c: {  	_ =	strace s4  }
0x9d: {  	_ =	strace $0x8FFFFFFF  }
0x9e: {  	s19 =	sld [smem:$0x3FDB];
	_ =	sdelay $0x1  }
0x9f: {  	s5 =	simm.s32 $_scs_section_size  }
0xa0: {  	s6 =	simm.s32 $_size__tile_overlayer_lowered;
	s7 =	simm.s32 $_tile_overlayer_lowered  }
0xa1: {  	s22 =	simm.s32 $0x1BFF;
	s21 =	sshll.u32 s7, $0x1;
	s4 =	sadd.s32 s5, s19  }
0xa2: {  	s8 =	simm.s32 $0x0;
	s20 =	sshll.u32 s6, $0x1;
	s6 =	sadd.s32 s21, s4  }
0xa3: {  	[timem:s8], [sflag:s22] =	dma.local [hbm:s6], s20  }
0xa4: {  	_ =	swait.ge [sflag:s22], s20  }
0xa5: {  	s5 =	ssub.s32 $0x0, s20;
	[sflag:s22] =	ssyncset.done $0x0  }
0xa6: {  	[sflag:s22] =	ssyncadd.s32 s5;
	_ =	sdelay $0x1  }
0xa7: {  	s23 =	simm.s32 $0x1B8B  }
0xa8: {  	_ =	swait.ge [sflag:s23], $0x1  }
0xa9: {  	[sflag:s23] =	ssyncset.done $0x0  }
0xaa: {  	s25 =	simm.s32 $0x1B8E;
	s24 =	sld [smem:$0x3FFE];
	[sflag:s23] =	ssyncadd.s32 $0xFFFFFFFF  }
0xab: {  	s26 =	simm.s32 $execute0_lowered;
	[smem:$0x3FD2] =	sst s25  }
0xac: {  	s6 =	sshll.u32 s26, $0x1;
	_ =	strace $0x80000046;
	[dreg:$0x1] =	wrdreg $0xFFFFFFFF  }
0xad: {  	s28 =	simm.s32 $_size_execute0_lowered;
	s4 =	sadd.s32 s4, s6;
	[dreg:$0x0] =	wrdreg $0x0  }
0xae: {  	s6 =	sshll.u32 s28, $0x1;
	[dreg:$0x2] =	wrdreg s4  }
0xaf: {  	[dreg:$0x3] =	wrdreg s6  }
0xb0: {  	[dreg:$0x4] =	wrdreg $0xC0  }
0xb1: {  	_ =	task [dreg:s8], $0x5FFFF  }
0xb2: {  	[dreg:$0x1] =	wrdreg $0xFFFFFFFF  }
0xb3: {  	[dreg:$0x0] =	wrdreg $0x60  }
0xb4: {  	[dreg:$0x2] =	wrdreg s16  }
0xb5: {  	[dreg:$0x3] =	wrdreg s24  }
0xb6: {  	[dreg:$0x4] =	wrdreg s17  }
0xb7: {  	[dreg:$0x5] =	wrdreg $0x7F80  }
0xb8: {  	[dreg:$0x6] =	wrdreg $0x9  }
0xb9: {  	_ =	task.clear_ibuf [dreg:s8], $0x7FFFF;
	_ =	strace $0x90000046  }
0xba: {  	s29 =	simm.s32 $0x9;
	_ =	strace $0x80000048  }
0xbb: {  	_ =	swait.ge [sflag:s29], $0x1  }
0xbc: {  	[sflag:s29] =	ssyncadd.s32 $0xFFFFFFFF  }
0xbd: {  	_ =	strace $0x90000048  }
0xbe: {  	_ =	sfence  }
0xbf: {  	s30 =	sld [smem:$0x0];
	_ =	sdelay $0x2  }
0xc0: {  	s31 =	sshll.u32 s1, $0xD;
	s1 =	sshrl.u32 s1, $0x2  }
0xc1: {  	s3 =	sand.u32 $0x4000, s31;
	s1 =	sadd.s32 s1, s30  }
0xc2: {  	s0 =	sor.u32 s3, s0;
	s1 =	sshll.u32 s1, $0x11  }
0xc3: {  	s0 =	sor.u32 s1, s0  }
0xc4: {  	s0 =	sadd.s32 $0x8F2B, s0  }
0xc5: {  	[sflag:s0] =	ssyncadd.remote.s32 $0x1  }
0xc6: {  	_ =	sfence.sel $0xFFFF  }
0xc7: {  	[dreg:$0x0] =	wrdreg $0xFFFFFFFF;
	(pc) =	sbr.abs _section_cstart, $3  }
0xc8: {  	[dreg:$0x1] =	wrdreg $0xFFFFFFFF  }
0xc9: {  	_ =	task.clear_ibuf [dreg:s8], $0x2FFFF;
	_ =	strace $0x9FFFFFFF  }
0xca: {  	(tm) =	ssettm $0x7FFFFFFF  }
0xcb: {  	_ =	shalt  }
tec
execute0_lowered:
.L_overlay_start_1:
0x0: {  	(tag) =	ssettag $0x1  }
0x1: {  	s11 =	rddreg [dreg:$0x0];
	s0 =	stileid.u32  }
0x2: {  	s4 =	rddreg [dreg:$0x1];
	s1 =	srdreg.scid;
	s10 =	sand.u32 $0x3, s0  }
0x3: {  	s2 =	rddreg [dreg:$0x2];
	s7 =	sshrl.u32 s0, $0x2;
	s12 =	smul.u32 $0x61A8, s10  }
0x4: {  	s5 =	rddreg [dreg:$0x3];
	s14 =	smul.u32 $0xE2000, s7  }
0x5: {  	s21 =	simm.s32 $0x688;
	s6 =	sand.u32 $0x1, s1;
	s10 =	smul.u32 $0xE200, s10  }
0x6: {  	s22 =	simm.s32 $0x28;
	s1 =	rddreg [dreg:$0x4];
	s29 =	smul.u32 $0x124F80, s6  }
0x7: {  	s13 =	sadd.s32 $0x600, s4;
	s19 =	sshll.u32 s0, $0x6;
	s18 =	smul.u32 $0x493E0, s7  }
0x8: {  	s3 =	sshll.u32 s6, $0x2;
	s28 =	ssub.s32 $0x2, s6;
	s20 =	smul.u32 $0x61A80, s6  }
0x9: {  	s30 =	smul.u32 $0x186A0, s7;
	s6 =	sor.u32 $0x1C01, s19;
	s8 =	sor.u32 s7, s3  }
0xa: {  	s19 =	simm.s32 $0x628;
	s3 =	simm.s32 $0x0;
	s9 =	smul.u32 $0x7100, s8  }
0xb: {  	s15 =	sshrl.u32 s28, $0x1;
	[smem:$0x7FF] =	sst s3;
	s16 =	smul.u32 $0x186A0, s8  }
0xc: {  	s14 =	sshrl.u32 s14, $0x2;
	s15 =	ssub.s32 s28, s15;
	s8 =	smul.u32 $0x493E0, s8  }
0xd: {  	v0 =	vlaneseq.u32;
	s23 =	sshrl.u32 s10, $0x3;
	s17 =	sadd.s32 $0x6180, s12;
	s31 =	sadd.s32 s30, s20  }
0xe: {  	v0 =	vmul.u32 $0x8, v0;
	s20 =	simm.s32 $0x658;
	_ =	strace $0x80000047;
	s9 =	sadd.s32 s9, s4  }
0xf: {  	s4 =	sadd.s32 s14, s5;
	s5 =	sadd.s32 s2, s23;
	s16 =	sadd.s32 s17, s16  }
0x10: {  	v1 =	vor.u32 $0x80, v0;
	v2 =	vor.u32 $0x100, v0;
	s8 =	sadd.s32 s17, s8;
	s17 =	simm.s32 $0x80;
	s14 =	sadd.s32 s10, s4  }
0x11: {  	v3 =	vor.u32 $0x180, v0;
	v4 =	vor.u32 $0x200, v0;
	v5 =	vor.u32 $0x280, v0;
	s16 =	sshrl.u32 s16, $0x3;
	s8 =	sshrl.u32 s8, $0x3;
	s10 =	sadd.s32 s18, s29  }
0x12: {  	v6 =	vor.u32 $0x300, v0;
	v7 =	vor.u32 $0x380, v0;
	v8 =	vor.u32 $0x1, v0;
	s24 =	sadd.s32 $0x49A00, s9;
	s9 =	smax.u32 s15, $0x1;
	s15 =	simm.s32 $0x6B8  }
0x13: {  	v9 =	vor.u32 $0x81, v0;
	v10 =	vor.u32 $0x101, v0;
	v11 =	vor.u32 $0x181, v0;
	s18 =	simm.s32 $0x600;
	s7 =	sadd.s32 s11, s16;
	s8 =	sadd.s32 s13, s8  }
0x14: {  	v12 =	vor.u32 $0x201, v0;
	v13 =	vor.u32 $0x281, v0;
	v14 =	vor.u32 $0x301, v0;
	s10 =	sadd.s32 s12, s10;
	s12 =	sadd.s32 s12, s31;
	s16 =	simm.s32 $0x186A0  }
0x15: {  	v15 =	vor.u32 $0x381, v0;
	v16 =	vor.u32 $0x2, v0;
	v17 =	vor.u32 $0x82, v0;
	s23 =	sadd.s32 s23, s24;
	s10 =	sshrl.u32 s10, $0x3;
	s12 =	sshrl.u32 s12, $0x3  }
0x16: {  	v18 =	vor.u32 $0x102, v0;
	v19 =	vor.u32 $0x182, v0;
	v20 =	vor.u32 $0x202, v0;
	s24 =	simm.s32 $0x0;
	s10 =	sadd.s32 s10, s13;
	s11 =	sadd.s32 s12, s11  }
0x17: {  	v21 =	vor.u32 $0x282, v0;
	v22 =	vor.u32 $0x302, v0;
	v23 =	vor.u32 $0x382, v0;
	s12 =	sshrl.u32 s14, $0x3;
	s13 =	simm.s32 $0x1;
	s14 =	simm.s32 $0x200  }
.LBB2_1:
0x18: {  	[spmem:s12], [sflag:s6] =	dma.local [hbm:s5], $0x1C40  }
0x19: {  	_ =	swait.ge [sflag:s13], $0x1C40  }
0x1a: {  	[sflag:s13] =	ssyncset.done $0x0  }
0x1b: {  	[sflag:s13] =	ssyncadd.s32 $0xFFFFE3C0  }
0x1c: {  	[tilespmem:s14], [sflag:$0x1] =	stream.linear.gather [hbm4b:s2+s3], $0x400, $0x38;
	[tilespmem:$0xE9F8] =	vst v63  }
0x1d: {  	_ =	swait.ge [sflag:s13], $0x400  }
0x1e: {  	[sflag:s13] =	ssyncset.done $0x0  }
0x1f: {  	[sflag:s13] =	ssyncadd.s32 $0xFFFFFC00  }
0x20: {  	[tilespmem:s15], [sflag:$0x1] =	stream.linear.gather [hbm4b:s2+s3], $0x140, $0x38;
	[tilespmem:$0xE9F8] =	vst v63  }
0x21: {  	_ =	swait.ge [sflag:s13], $0x140  }
0x22: {  	[sflag:s13] =	ssyncset.done $0x0  }
0x23: {  	[sflag:s13] =	ssyncadd.s32 $0xFFFFFEC0  }
0x24: {  	s25 =	sadd.s32 $0x0, s11;
	[bflag:$0x0] =	sbarrier.arrive $0xFFFF  }
0x25: {  	[tilespmem:s3], [sflag:$0x1] =	stream.linear.gather [hbm4b:s25+s3], $0x80, $0x38;
	[tilespmem:$0xE9F8] =	vst v63  }
0x26: {  	_ =	swait.ge [sflag:s13], $0x80  }
0x27: {  	[sflag:s13] =	ssyncset.done $0x0  }
0x28: {  	s31 =	sadd.s32 $0x0, s10;
	[sflag:s13] =	ssyncadd.s32 $0xFFFFFF80  }
0x29: {  	[tilespmem:s17], [sflag:$0x1] =	stream.strided.gather [hbm4b:s31+s17], $0x180, s16, s17, $0x38;
	[tilespmem:$0xE9F8] =	vst v63  }
0x2a: {  	_ =	swait.ge [sflag:s13], $0x180  }
0x2b: {  	[sflag:s13] =	ssyncset.done $0x0  }
0x2c: {  	[sflag:s13] =	ssyncadd.s32 $0xFFFFFE80  }
0x2d: {  	v24 =	vld [tilespmem:$0x80];
	_ =	sdelay $0x4  }
0x2e: {  	[tilespmem:v0+s14+$0x0] =	vst.idx.msk $0xffff, v24  }
0x2f: {  	v24 =	vld [tilespmem:$0x90];
	_ =	sdelay $0x4  }
0x30: {  	[tilespmem:v1+s14+$0x0] =	vst.idx.msk $0xffff, v24  }
0x31: {  	v24 =	vld [tilespmem:$0xA0];
	_ =	sdelay $0x4  }
0x32: {  	[tilespmem:v2+s14+$0x0] =	vst.idx.msk $0xffff, v24  }
0x33: {  	v24 =	vld [tilespmem:$0xB0];
	_ =	sdelay $0x4  }
0x34: {  	[tilespmem:v3+s14+$0x0] =	vst.idx.msk $0xffff, v24  }
0x35: {  	v24 =	vld [tilespmem:$0xC0];
	_ =	sdelay $0x4  }
0x36: {  	[tilespmem:v4+s14+$0x0] =	vst.idx.msk $0xffff, v24  }
0x37: {  	v24 =	vld [tilespmem:$0xD0];
	_ =	sdelay $0x4  }
0x38: {  	[tilespmem:v5+s14+$0x0] =	vst.idx.msk $0xffff, v24  }
0x39: {  	v24 =	vld [tilespmem:$0xE0];
	_ =	sdelay $0x4  }
0x3a: {  	[tilespmem:v6+s14+$0x0] =	vst.idx.msk $0xffff, v24  }
0x3b: {  	v24 =	vld [tilespmem:$0xF0];
	_ =	sdelay $0x4  }
0x3c: {  	[tilespmem:v7+s14+$0x0] =	vst.idx.msk $0xffff, v24  }
0x3d: {  	v24 =	vld [tilespmem:$0x100];
	_ =	sdelay $0x4  }
0x3e: {  	[tilespmem:v8+s14+$0x0] =	vst.idx.msk $0xffff, v24  }
0x3f: {  	v24 =	vld [tilespmem:$0x110];
	_ =	sdelay $0x4  }
0x40: {  	[tilespmem:v9+s14+$0x0] =	vst.idx.msk $0xffff, v24  }
0x41: {  	v24 =	vld [tilespmem:$0x120];
	_ =	sdelay $0x4  }
0x42: {  	[tilespmem:v10+s14+$0x0] =	vst.idx.msk $0xffff, v24  }
0x43: {  	v24 =	vld [tilespmem:$0x130];
	_ =	sdelay $0x4  }
0x44: {  	[tilespmem:v11+s14+$0x0] =	vst.idx.msk $0xffff, v24  }
0x45: {  	v24 =	vld [tilespmem:$0x140];
	_ =	sdelay $0x4  }
0x46: {  	[tilespmem:v12+s14+$0x0] =	vst.idx.msk $0xffff, v24  }
0x47: {  	v24 =	vld [tilespmem:$0x150];
	_ =	sdelay $0x4  }
0x48: {  	[tilespmem:v13+s14+$0x0] =	vst.idx.msk $0xffff, v24  }
0x49: {  	v24 =	vld [tilespmem:$0x160];
	_ =	sdelay $0x4  }
0x4a: {  	[tilespmem:v14+s14+$0x0] =	vst.idx.msk $0xffff, v24  }
0x4b: {  	v24 =	vld [tilespmem:$0x170];
	_ =	sdelay $0x4  }
0x4c: {  	[tilespmem:v15+s14+$0x0] =	vst.idx.msk $0xffff, v24  }
0x4d: {  	v24 =	vld [tilespmem:$0x180];
	_ =	sdelay $0x4  }
0x4e: {  	[tilespmem:v16+s14+$0x0] =	vst.idx.msk $0xffff, v24  }
0x4f: {  	v24 =	vld [tilespmem:$0x190];
	_ =	sdelay $0x4  }
0x50: {  	[tilespmem:v17+s14+$0x0] =	vst.idx.msk $0xffff, v24  }
0x51: {  	v24 =	vld [tilespmem:$0x1A0];
	_ =	sdelay $0x4  }
0x52: {  	[tilespmem:v18+s14+$0x0] =	vst.idx.msk $0xffff, v24  }
0x53: {  	v24 =	vld [tilespmem:$0x1B0];
	_ =	sdelay $0x4  }
0x54: {  	[tilespmem:v19+s14+$0x0] =	vst.idx.msk $0xffff, v24  }
0x55: {  	v24 =	vld [tilespmem:$0x1C0];
	_ =	sdelay $0x4  }
0x56: {  	[tilespmem:v20+s14+$0x0] =	vst.idx.msk $0xffff, v24  }
0x57: {  	v24 =	vld [tilespmem:$0x1D0];
	_ =	sdelay $0x4  }
0x58: {  	[tilespmem:v21+s14+$0x0] =	vst.idx.msk $0xffff, v24  }
0x59: {  	v24 =	vld [tilespmem:$0x1E0];
	_ =	sdelay $0x4  }
0x5a: {  	[tilespmem:v22+s14+$0x0] =	vst.idx.msk $0xffff, v24  }
0x5b: {  	v24 =	vld [tilespmem:$0x1F0];
	_ =	sdelay $0x4  }
0x5c: {  	[tilespmem:v23+s14+$0x0] =	vst.idx.msk $0xffff, v24  }
0x5d: {  	[spmem:s4] =	stream.indirect.scatter.add.f32 [tilespmem:s14], [sflag:$0x1], $0x8, s3, s17, $0xb8;
	[tilespmem:$0xE9F8] =	vst v63  }
0x5e: {  	_ =	swait.ge [sflag:s13], $0x400  }
0x5f: {  	s28 =	simm.s32 $0x20;
	s25 =	simm.s32 $0x10;
	[sflag:s13] =	ssyncset.done $0x0  }
.LBB2_2:
0x60: {  	s29 =	sadd.s32 s25, s11  }
0x61: {  	[sflag:s13] =	ssyncadd.s32 $0xFFFFFC00;
	s30 =	smov.u32 s28;
	s26 =	sadd.s32 $0x10, s28  }
0x62: {  	[tilespmem:s3], [sflag:$0x1] =	stream.linear.gather [hbm4b:s29+s3], $0x80, $0x38;
	[tilespmem:$0xE9F8] =	vst v63  }
0x63: {  	p0 =	sne.s32 s28, $0xC20;
	_ =	swait.ge [sflag:s13], $0x80  }
0x64: {  	[sflag:s13] =	ssyncset.done $0x0  }
0x65: {  	s28 =	sadd.s32 s25, s10;
	s25 =	smov.u32 s30;
	[sflag:s13] =	ssyncadd.s32 $0xFFFFFF80  }
0x66: {  	[tilespmem:s17], [sflag:$0x1] =	stream.strided.gather [hbm4b:s28+s17], $0x180, s16, s17, $0x38;
	[tilespmem:$0xE9F8] =	vst v63  }
0x67: {  	_ =	swait.ge [sflag:s13], $0x180  }
0x68: {  	[sflag:s13] =	ssyncset.done $0x0  }
0x69: {  	[sflag:s13] =	ssyncadd.s32 $0xFFFFFE80  }
0x6a: {  	v24 =	vld [tilespmem:$0x80];
	_ =	sdelay $0x4  }
0x6b: {  	[tilespmem:v0+s14+$0x0] =	vst.idx.msk $0xffff, v24  }
0x6c: {  	v24 =	vld [tilespmem:$0x90];
	_ =	sdelay $0x4  }
0x6d: {  	[tilespmem:v1+s14+$0x0] =	vst.idx.msk $0xffff, v24  }
0x6e: {  	v24 =	vld [tilespmem:$0xA0];
	_ =	sdelay $0x4  }
0x6f: {  	[tilespmem:v2+s14+$0x0] =	vst.idx.msk $0xffff, v24  }
0x70: {  	v24 =	vld [tilespmem:$0xB0];
	_ =	sdelay $0x4  }
0x71: {  	[tilespmem:v3+s14+$0x0] =	vst.idx.msk $0xffff, v24  }
0x72: {  	v24 =	vld [tilespmem:$0xC0];
	_ =	sdelay $0x4  }
0x73: {  	[tilespmem:v4+s14+$0x0] =	vst.idx.msk $0xffff, v24  }
0x74: {  	v24 =	vld [tilespmem:$0xD0];
	_ =	sdelay $0x4  }
0x75: {  	[tilespmem:v5+s14+$0x0] =	vst.idx.msk $0xffff, v24  }
0x76: {  	v24 =	vld [tilespmem:$0xE0];
	_ =	sdelay $0x4  }
0x77: {  	[tilespmem:v6+s14+$0x0] =	vst.idx.msk $0xffff, v24  }
0x78: {  	v24 =	vld [tilespmem:$0xF0];
	_ =	sdelay $0x4  }
0x79: {  	[tilespmem:v7+s14+$0x0] =	vst.idx.msk $0xffff, v24  }
0x7a: {  	v24 =	vld [tilespmem:$0x100];
	_ =	sdelay $0x4  }
0x7b: {  	[tilespmem:v8+s14+$0x0] =	vst.idx.msk $0xffff, v24  }
0x7c: {  	v24 =	vld [tilespmem:$0x110];
	_ =	sdelay $0x4  }
0x7d: {  	[tilespmem:v9+s14+$0x0] =	vst.idx.msk $0xffff, v24  }
0x7e: {  	v24 =	vld [tilespmem:$0x120];
	_ =	sdelay $0x4  }
0x7f: {  	[tilespmem:v10+s14+$0x0] =	vst.idx.msk $0xffff, v24  }
0x80: {  	v24 =	vld [tilespmem:$0x130];
	_ =	sdelay $0x4  }
0x81: {  	[tilespmem:v11+s14+$0x0] =	vst.idx.msk $0xffff, v24  }
0x82: {  	v24 =	vld [tilespmem:$0x140];
	_ =	sdelay $0x4  }
0x83: {  	[tilespmem:v12+s14+$0x0] =	vst.idx.msk $0xffff, v24  }
0x84: {  	v24 =	vld [tilespmem:$0x150];
	_ =	sdelay $0x4  }
0x85: {  	[tilespmem:v13+s14+$0x0] =	vst.idx.msk $0xffff, v24  }
0x86: {  	v24 =	vld [tilespmem:$0x160];
	_ =	sdelay $0x4  }
0x87: {  	[tilespmem:v14+s14+$0x0] =	vst.idx.msk $0xffff, v24  }
0x88: {  	v24 =	vld [tilespmem:$0x170];
	_ =	sdelay $0x4  }
0x89: {  	[tilespmem:v15+s14+$0x0] =	vst.idx.msk $0xffff, v24  }
0x8a: {  	v24 =	vld [tilespmem:$0x180];
	_ =	sdelay $0x4  }
0x8b: {  	[tilespmem:v16+s14+$0x0] =	vst.idx.msk $0xffff, v24  }
0x8c: {  	v24 =	vld [tilespmem:$0x190];
	_ =	sdelay $0x4  }
0x8d: {  	[tilespmem:v17+s14+$0x0] =	vst.idx.msk $0xffff, v24  }
0x8e: {  	v24 =	vld [tilespmem:$0x1A0];
	_ =	sdelay $0x4  }
0x8f: {  	[tilespmem:v18+s14+$0x0] =	vst.idx.msk $0xffff, v24  }
0x90: {  	v24 =	vld [tilespmem:$0x1B0];
	_ =	sdelay $0x4  }
0x91: {  	[tilespmem:v19+s14+$0x0] =	vst.idx.msk $0xffff, v24  }
0x92: {  	v24 =	vld [tilespmem:$0x1C0];
	_ =	sdelay $0x4  }
0x93: {  	[tilespmem:v20+s14+$0x0] =	vst.idx.msk $0xffff, v24  }
0x94: {  	v24 =	vld [tilespmem:$0x1D0];
	_ =	sdelay $0x4  }
0x95: {  	[tilespmem:v21+s14+$0x0] =	vst.idx.msk $0xffff, v24  }
0x96: {  	v24 =	vld [tilespmem:$0x1E0];
	_ =	sdelay $0x4  }
0x97: {  	[tilespmem:v22+s14+$0x0] =	vst.idx.msk $0xffff, v24  }
0x98: {  	v24 =	vld [tilespmem:$0x1F0];
	_ =	sdelay $0x3  }
.Ltmp0:
0x99: {  	(pc) =	sbr.rel @p0 .LBB2_2-.Ltmp0, $4  }
0x9a: {  	[tilespmem:v23+s14+$0x0] =	vst.idx.msk $0xffff, v24  }
0x9b: {  	[spmem:s4] =	stream.indirect.scatter.add.f32 [tilespmem:s14], [sflag:$0x1], $0x8, s3, s17, $0xb8;
	[tilespmem:$0xE9F8] =	vst v63  }
0x9c: {  	_ =	swait.ge [sflag:s13], $0x400  }
0x9d: {  	s28 =	smov.u32 s26;
	[sflag:s13] =	ssyncset.done $0x0  }
0x9e: {  	s26 =	sadd.s32 s25, s11;
	[sflag:s13] =	ssyncadd.s32 $0xFFFFFC00  }
0x9f: {  	[tilespmem:s3], [sflag:$0x1] =	stream.linear.gather [hbm4b:s26+s3], $0x80, $0x38;
	[tilespmem:$0xE9F8] =	vst v63  }
0xa0: {  	_ =	swait.ge [sflag:s13], $0x80  }
0xa1: {  	[sflag:s13] =	ssyncset.done $0x0  }
0xa2: {  	s29 =	sadd.s32 s25, s10;
	[sflag:s13] =	ssyncadd.s32 $0xFFFFFF80  }
0xa3: {  	[tilespmem:s17], [sflag:$0x1] =	stream.strided.gather [hbm4b:s29+s17], $0x180, s16, s17, $0x38;
	[tilespmem:$0xE9F8] =	vst v63  }
0xa4: {  	_ =	swait.ge [sflag:s13], $0x180  }
0xa5: {  	[sflag:s13] =	ssyncset.done $0x0  }
0xa6: {  	[sflag:s13] =	ssyncadd.s32 $0xFFFFFE80  }
0xa7: {  	v24 =	vld [tilespmem:$0x80];
	_ =	sdelay $0x4  }
0xa8: {  	[tilespmem:v0+s14+$0x0] =	vst.idx.msk $0xffff, v24  }
0xa9: {  	v24 =	vld [tilespmem:$0x90];
	_ =	sdelay $0x4  }
0xaa: {  	[tilespmem:v1+s14+$0x0] =	vst.idx.msk $0xffff, v24  }
0xab: {  	v24 =	vld [tilespmem:$0xA0];
	_ =	sdelay $0x4  }
0xac: {  	[tilespmem:v2+s14+$0x0] =	vst.idx.msk $0xffff, v24  }
0xad: {  	v24 =	vld [tilespmem:$0xB0];
	_ =	sdelay $0x4  }
0xae: {  	[tilespmem:v3+s14+$0x0] =	vst.idx.msk $0xffff, v24  }
0xaf: {  	v24 =	vld [tilespmem:$0xC0];
	_ =	sdelay $0x4  }
0xb0: {  	[tilespmem:v4+s14+$0x0] =	vst.idx.msk $0xffff, v24  }
0xb1: {  	v24 =	vld [tilespmem:$0xD0];
	_ =	sdelay $0x4  }
0xb2: {  	[tilespmem:v5+s14+$0x0] =	vst.idx.msk $0xffff, v24  }
0xb3: {  	v24 =	vld [tilespmem:$0xE0];
	_ =	sdelay $0x4  }
0xb4: {  	[tilespmem:v6+s14+$0x0] =	vst.idx.msk $0xffff, v24  }
0xb5: {  	v24 =	vld [tilespmem:$0xF0];
	_ =	sdelay $0x4  }
0xb6: {  	[tilespmem:v7+s14+$0x0] =	vst.idx.msk $0xffff, v24  }
0xb7: {  	v24 =	vld [tilespmem:$0x100];
	_ =	sdelay $0x4  }
0xb8: {  	[tilespmem:v8+s14+$0x0] =	vst.idx.msk $0xffff, v24  }
0xb9: {  	v24 =	vld [tilespmem:$0x110];
	_ =	sdelay $0x4  }
0xba: {  	[tilespmem:v9+s14+$0x0] =	vst.idx.msk $0xffff, v24  }
0xbb: {  	v24 =	vld [tilespmem:$0x120];
	_ =	sdelay $0x4  }
0xbc: {  	[tilespmem:v10+s14+$0x0] =	vst.idx.msk $0xffff, v24  }
0xbd: {  	v24 =	vld [tilespmem:$0x130];
	_ =	sdelay $0x4  }
0xbe: {  	[tilespmem:v11+s14+$0x0] =	vst.idx.msk $0xffff, v24  }
0xbf: {  	v24 =	vld [tilespmem:$0x140];
	_ =	sdelay $0x4  }
0xc0: {  	[tilespmem:v12+s14+$0x0] =	vst.idx.msk $0xffff, v24  }
0xc1: {  	v24 =	vld [tilespmem:$0x150];
	_ =	sdelay $0x4  }
0xc2: {  	[tilespmem:v13+s14+$0x0] =	vst.idx.msk $0xffff, v24  }
0xc3: {  	v24 =	vld [tilespmem:$0x160];
	_ =	sdelay $0x4  }
0xc4: {  	[tilespmem:v14+s14+$0x0] =	vst.idx.msk $0xffff, v24  }
0xc5: {  	v24 =	vld [tilespmem:$0x170];
	_ =	sdelay $0x4  }
0xc6: {  	[tilespmem:v15+s14+$0x0] =	vst.idx.msk $0xffff, v24  }
0xc7: {  	v24 =	vld [tilespmem:$0x180];
	_ =	sdelay $0x4  }
0xc8: {  	[tilespmem:v16+s14+$0x0] =	vst.idx.msk $0xffff, v24  }
0xc9: {  	v24 =	vld [tilespmem:$0x190];
	_ =	sdelay $0x4  }
0xca: {  	[tilespmem:v17+s14+$0x0] =	vst.idx.msk $0xffff, v24  }
0xcb: {  	v24 =	vld [tilespmem:$0x1A0];
	_ =	sdelay $0x4  }
0xcc: {  	[tilespmem:v18+s14+$0x0] =	vst.idx.msk $0xffff, v24  }
0xcd: {  	v24 =	vld [tilespmem:$0x1B0];
	_ =	sdelay $0x4  }
0xce: {  	[tilespmem:v19+s14+$0x0] =	vst.idx.msk $0xffff, v24  }
0xcf: {  	v24 =	vld [tilespmem:$0x1C0];
	_ =	sdelay $0x4  }
0xd0: {  	[tilespmem:v20+s14+$0x0] =	vst.idx.msk $0xffff, v24  }
0xd1: {  	v24 =	vld [tilespmem:$0x1D0];
	_ =	sdelay $0x4  }
0xd2: {  	[tilespmem:v21+s14+$0x0] =	vst.idx.msk $0xffff, v24  }
0xd3: {  	v24 =	vld [tilespmem:$0x1E0];
	_ =	sdelay $0x4  }
0xd4: {  	[tilespmem:v22+s14+$0x0] =	vst.idx.msk $0xffff, v24  }
0xd5: {  	v24 =	vld [tilespmem:$0x1F0];
	_ =	sdelay $0x4  }
0xd6: {  	[tilespmem:v23+s14+$0x0] =	vst.idx.msk $0xffff, v24  }
0xd7: {  	[spmem:s4] =	stream.indirect.scatter.add.f32 [tilespmem:s14], [sflag:$0x1], $0x8, s3, s17, $0xb8;
	[tilespmem:$0xE9F8] =	vst v63  }
0xd8: {  	_ =	swait.ge [sflag:s13], $0x400  }
0xd9: {  	[sflag:s13] =	ssyncset.done $0x0  }
0xda: {  	[sflag:s13] =	ssyncadd.s32 $0xFFFFFC00  }
0xdb: {  	[tilespmem:s18], [sflag:$0x1] =	stream.linear.gather [hbm4b:s7+s3], $0x28, $0x38;
	[tilespmem:$0xE9F8] =	vst v63  }
0xdc: {  	_ =	swait.ge [sflag:s13], $0x28  }
0xdd: {  	[sflag:s13] =	ssyncset.done $0x0  }
0xde: {  	[sflag:s13] =	ssyncadd.s32 $0xFFFFFFD8  }
0xdf: {  	[tilespmem:s19], [sflag:$0x1] =	stream.linear.gather [hbm4b:s8+s3], $0x28, $0x38;
	[tilespmem:$0xE9F8] =	vst v63  }
0xe0: {  	s30 =	sadd.s32 $0x30D4, s8  }
0xe1: {  	[tilespmem:s20], [sflag:$0x1] =	stream.linear.gather [hbm4b:s30+s3], $0x28, $0x38;
	[tilespmem:$0xE9F8] =	vst v63  }
0xe2: {  	s31 =	sadd.s32 $0x61A8, s8  }
0xe3: {  	[tilespmem:s21], [sflag:$0x1] =	stream.linear.gather [hbm4b:s31+s3], $0x28, $0x38;
	[tilespmem:$0xE9F8] =	vst v63  }
0xe4: {  	_ =	swait.ge [sflag:s13], $0x78  }
0xe5: {  	[sflag:s13] =	ssyncset.done $0x0  }
0xe6: {  	[sflag:s13] =	ssyncadd.s32 $0xFFFFFF88  }
0xe7: {  	v63 =	vld [tilespmem:$0x628];
	_ =	sdelay $0x4  }
0xe8: {  	[tilespmem:v0+s15+$0x0] =	vst.idx.msk $0xffff, v63  }
0xe9: {  	v24 =	vld [tilespmem:$0x638];
	_ =	sdelay $0x4  }
0xea: {  	[tilespmem:v1+s15+$0x0] =	vst.idx.msk $0xffff, v24  }
0xeb: {  	v24 =	vld [tilespmem:$0x648];
	_ =	sdelay $0x4  }
0xec: {  	[tilespmem:v2+s15+$0x0] =	vst.idx.msk $0xff, v24  }
0xed: {  	v24 =	vld [tilespmem:$0x658];
	_ =	sdelay $0x4  }
0xee: {  	[tilespmem:v8+s15+$0x0] =	vst.idx.msk $0xffff, v24  }
0xef: {  	v24 =	vld [tilespmem:$0x668];
	_ =	sdelay $0x4  }
0xf0: {  	[tilespmem:v9+s15+$0x0] =	vst.idx.msk $0xffff, v24  }
0xf1: {  	v24 =	vld [tilespmem:$0x678];
	_ =	sdelay $0x4  }
0xf2: {  	[tilespmem:v10+s15+$0x0] =	vst.idx.msk $0xff, v24  }
0xf3: {  	v24 =	vld [tilespmem:$0x688];
	_ =	sdelay $0x4  }
0xf4: {  	[tilespmem:v16+s15+$0x0] =	vst.idx.msk $0xffff, v24  }
0xf5: {  	v24 =	vld [tilespmem:$0x698];
	_ =	sdelay $0x4  }
0xf6: {  	[tilespmem:v17+s15+$0x0] =	vst.idx.msk $0xffff, v24  }
0xf7: {  	v24 =	vld [tilespmem:$0x6A8];
	_ =	sdelay $0x4  }
0xf8: {  	[tilespmem:v18+s15+$0x0] =	vst.idx.msk $0xff, v24  }
0xf9: {  	[spmem:s4] =	stream.indirect.scatter.add.f32 [tilespmem:s15], [sflag:$0x1], $0x8, s18, s22, $0xb8;
	[tilespmem:$0xE9F8] =	vst v63  }
0xfa: {  	_ =	swait.ge [sflag:s13], $0x140  }
0xfb: {  	s24 =	sadd.s32 $0x1, s24;
	[sflag:s13] =	ssyncset.done $0x0  }
0xfc: {  	p0 =	sne.s32 s24, s9;
	[sflag:s13] =	ssyncadd.s32 $0xFFFFFEC0  }
.Ltmp1:
0xfd: {  	[bflag:$0x0] =	sbarrier.arrive $0xFFFF;
	(pc) =	sbr.rel @p0 .LBB2_1-.Ltmp1, $4  }
0xfe: {  	[hbm:s23], [sflag:s6] =	dma.local [spmem:s12], $0x1C40  }
0xff: {  	_ =	swait.ge [sflag:s13], $0x1C40  }
0x100: {  	[sflag:s13] =	ssyncset.done $0x0  }
0x101: {  	[sflag:s13] =	ssyncadd.s32 $0xFFFFE3C0  }
0x102: {  	_ =	sfence.sel $0x180000  }
0x103: {  	[bflag:$0x0] =	sbarrier.arrive $0xFFFF  }
0x104: {  	p0 =	sne.s32 s0, $0x0;
	_ =	strace $0x90000047  }
0x105: {  	s0 =	sadd.s32 @!p0 $0x100000, s1;
	[bflag:$0x2] =	sbarrier.arrive $0xFFFF  }
0x106: {  	[sflag:s0] =	ssyncadd.tile.s32 @!p0 $0x1;
	_ =	shalt  }
.Lfunc_end2:
_tile_overlayer_lowered:
.L_overlay_start_2:
0x107: {  	(tag) =	ssettag $0x2  }
0x108: {  	s0 =	rddreg [dreg:$0x0];
	s2 =	stileid.u32  }
0x109: {  	s1 =	rddreg [dreg:$0x1];
	p0 =	sne.s32 s2, $0x0  }
0x10a: {  	s3 =	rddreg [dreg:$0x2];
	[bflag:$0x3] =	sbarrier.arrive $0xFFFF;
	s2 =	simm.s32 @!p0 $0x1C01  }
0x10b: {  	[timem:s3], [sflag:s2] =	dma.local @!p0 [hbm:s0], s1  }
0x10c: {  	s0 =	simm.s32 @!p0 $0x1  }
0x10d: {  	_ =	swait.ge @!p0 [sflag:s0], s1  }
0x10e: {  	s1 =	ssub.s32 @!p0 $0x0, s1;
	[sflag:s0] =	ssyncset.done @!p0 $0x0  }
0x10f: {  	[sflag:s0] =	ssyncadd.s32 @!p0 s1  }
0x110: {  	[bflag:$0x3] =	sbarrier.arrive $0xFFFF  }
0x111: {  	_ =	shalt  }

</sc_bundles>
